<compile_context>
chip_gen: v7x
topology: tpu7x:2x2x1
jax: 0.10.2.dev20260603
libtpu: 0.0.44.dev20260713+nightly
codegen_flags: <defaults>
</compile_context>

<pallas_src>
import functools

import jax
import jax.numpy as jnp
from jax import lax
from jax.experimental import pallas as pl
from jax.experimental.pallas import tpu as pltpu
from jax.experimental.pallas import tpu_sc as plsc

R, C = 128, 32768
NC, NS, L = 2, 16, 16
NW = NC * NS
RPB = 8
W_SC = 12288
COLS = W_SC // 2
CW = 3072
NCH = COLS // CW
J1 = CW // L

TCB = 4096
TC_C0 = W_SC // TCB
TC_G = (C - W_SC) // TCB

_I32_MAX = jnp.iinfo(jnp.int32).max


def _scan_chunk(buf, ci, carry):

    def body(j, cr):
        vcnt = cr[0]
        vmaxs = list(cr[1:1 + RPB])
        vsteps = list(cr[1 + RPB:1 + 2 * RPB])
        for r in range(RPB):
            x = buf[r, pl.ds(ci * CW + j * L, L)]
            m = x > vmaxs[r]
            vmaxs[r] = jnp.where(m, x, vmaxs[r])
            vsteps[r] = jnp.where(m, vcnt, vsteps[r])
        return (vcnt + 1, *vmaxs, *vsteps)

    return lax.fori_loop(0, J1, body, carry, unroll=2)


@functools.partial(
    pl.kernel,
    out_type=(
        jax.ShapeDtypeStruct((NW * L,), jnp.float32),
        jax.ShapeDtypeStruct((NW * L,), jnp.int32),
    ),
    mesh=plsc.VectorSubcoreMesh(core_axis_name="c", subcore_axis_name="s"),
    scratch_types=(
        pltpu.VMEM((RPB, COLS), jnp.float32),
        pltpu.VMEM((L,), jnp.float32),
        pltpu.VMEM((L,), jnp.int32),
        [pltpu.SemaphoreType.DMA] * NCH,
    ),
    compiler_params=pltpu.CompilerParams(
        use_tc_tiling_on_sc=True, needs_layout_passes=False),
)
def _stage1_sc(x_hbm, outv_hbm, outi_hbm, buf, ov, oi, sems):
    c = lax.axis_index("c")
    s = lax.axis_index("s")
    wid = s * NC + c
    row0 = (wid // 2) * RPB
    c0 = (wid % 2) * COLS

    copies = []
    for ci in range(NCH):
        copies.append(pltpu.async_copy(
            x_hbm.at[pl.ds(row0, RPB), pl.ds(c0 + ci * CW, CW)],
            buf.at[:, pl.ds(ci * CW, CW)], sems[ci]))

    neg_inf = jnp.full((L,), -jnp.inf, jnp.float32)
    zero = jnp.zeros((L,), jnp.int32)
    carry = (zero,) + (neg_inf,) * RPB + (zero,) * RPB
    for ci in range(NCH):
        copies[ci].wait()
        carry = _scan_chunk(buf, ci, carry)

    vmaxs = carry[1:1 + RPB]
    vsteps = carry[1 + RPB:1 + 2 * RPB]
    lane = lax.broadcasted_iota(jnp.int32, (L,), 0)

    vm = vmaxs[0]
    vi = (row0 + 0) * C + c0 + vsteps[0] * L + lane
    for r in range(1, RPB):
        mb = vmaxs[r]
        ib = (row0 + r) * C + c0 + vsteps[r] * L + lane
        take = (mb > vm) | ((mb == vm) & (ib < vi))
        vm = jnp.where(take, mb, vm)
        vi = jnp.where(take, ib, vi)

    ov[...] = vm
    oi[...] = vi
    pltpu.sync_copy(ov, outv_hbm.at[pl.ds(wid * L, L)])
    pltpu.sync_copy(oi, outi_hbm.at[pl.ds(wid * L, L)])


def _stripe_min_idx(x, m):
    rows = lax.broadcasted_iota(jnp.int32, (R, TCB), 0)
    cols = lax.broadcasted_iota(jnp.int32, (R, TCB), 1)
    return jnp.min(jnp.where(x == m, rows * C + cols, _I32_MAX))


def _stage1_tc_body(x_ref, om_ref, oi_ref, sm, si):
    g = pl.program_id(0)
    x = x_ref[...]
    m = jnp.max(x)

    @pl.when(g == 0)
    def _():
        sm[0] = m
        si[0] = _stripe_min_idx(x, m) + W_SC

    @pl.when(g > 0)
    def _():
        @pl.when(m >= sm[0])
        def _():
            li = _stripe_min_idx(x, m) + (W_SC + g * TCB)
            better = (m > sm[0]) | (li < si[0])

            @pl.when(better)
            def _():
                sm[0] = m
                si[0] = li

    @pl.when(g == TC_G - 1)
    def _():
        om_ref[0, 0] = sm[0]
        oi_ref[0, 0] = si[0]


_stage1_tc = pl.pallas_call(
    _stage1_tc_body,
    grid=(TC_G,),
    in_specs=[
        pl.BlockSpec((R, TCB), lambda g: (0, TC_C0 + g)),
    ],
    out_specs=(
        pl.BlockSpec(memory_space=pltpu.SMEM),
        pl.BlockSpec(memory_space=pltpu.SMEM),
    ),
    out_shape=(
        jax.ShapeDtypeStruct((1, 1), jnp.float32),
        jax.ShapeDtypeStruct((1, 1), jnp.int32),
    ),
    scratch_shapes=[
        pltpu.SMEM((1,), jnp.float32),
        pltpu.SMEM((1,), jnp.int32),
    ],
)


def _merge_body(v_ref, i_ref, tm_ref, ti_ref, o_ref):
    v = v_ref[...]
    idx = i_ref[...]
    tm = tm_ref[0, 0]
    ti = ti_ref[0, 0]
    m = jnp.maximum(jnp.max(v), tm)
    best_sc = jnp.min(jnp.where(v == m, idx, _I32_MAX))
    o_ref[0, 0] = jnp.where(tm == m, jnp.minimum(best_sc, ti), best_sc)


_merge = pl.pallas_call(
    _merge_body,
    in_specs=[
        pl.BlockSpec(memory_space=pltpu.VMEM),
        pl.BlockSpec(memory_space=pltpu.VMEM),
        pl.BlockSpec(memory_space=pltpu.SMEM),
        pl.BlockSpec(memory_space=pltpu.SMEM),
    ],
    out_shape=jax.ShapeDtypeStruct((1, 1), jnp.int32),
    out_specs=pl.BlockSpec(memory_space=pltpu.SMEM),
)


@jax.jit
def kernel(input):
    pv, pi = _stage1_sc(input)
    tm, ti = _stage1_tc(input)
    return _merge(pv.reshape(4, 128), pi.reshape(4, 128), tm, ti)

# --- scband reference (transcript-rebuilt; emitter-appended) ---
"""Pipeline reference for scband-net-arg-max-17265768530625 (READ-ONLY COPY).

The authoritative reference and input builder live on the scoring server;
editing this copy changes nothing except your own understanding.
"""

import jax, jax.numpy as jnp
import numpy as np

def setup_inputs(seed: int = 0) -> dict:
    key = jax.random.key(seed)
    input = jax.random.normal(key, (128, 32768), dtype=jnp.float32)
    return {"input": input}

def reference(input):
    # torch.argmax(input, keepdims=True) with no dim: argmax over the
    # flattened tensor, result reshaped to all-ones shape (keepdims).
    idx = jnp.argmax(input.reshape(-1))
    out_shape = (1,) * input.ndim
    return idx.reshape(out_shape)

if __name__ == "__main__":
    import jax
    _d = setup_inputs()
    print(jax.jit(kernel)(*tuple(_d.values())))

</pallas_src>

<mosaic_0001>
#map = affine_map<(d0, d1) -> (0, 0)>
#map1 = affine_map<(d0, d1) -> (0)>
module attributes {stable_mosaic.version = 14 : i64} {
  func.func @_stage1_sc(%arg0: i32, %arg1: i32, %arg2: memref<128x32768xf32, #tpu.memory_space<hbm>>, %arg3: memref<512xf32, #tpu.memory_space<hbm>>, %arg4: memref<512xi32, #tpu.memory_space<hbm>>, %arg5: memref<8x6144xf32, #tpu.memory_space<vmem>>, %arg6: memref<16xf32, #tpu.memory_space<vmem>>, %arg7: memref<16xi32, #tpu.memory_space<vmem>>, %arg8: memref<!tpu.dma_semaphore, #tpu.memory_space<semaphore_mem>>, %arg9: memref<!tpu.dma_semaphore, #tpu.memory_space<semaphore_mem>>) attributes {dimension_semantics = [#tpu.dimension_semantics<core_parallel>, #tpu.dimension_semantics<subcore_parallel>], iteration_bounds = array<i64: 2, 16>, scalar_prefetch = 0 : i64, scratch_operands = 5 : i64, tpu.core_type = #tpu.core_type<sc_vector_subcore>, window_params = [{transform_indices = #map}, {transform_indices = #map1}, {transform_indices = #map1}]} {
    %mul3A = arith.constant 2 : i32
    %mul3A_0 = arith.muli %arg1, %mul3A : i32
    %add3A = arith.addi %mul3A_0, %arg0 : i32
    %jit3A = arith.constant 2 : i32
    %div3A = arith.divsi %add3A, %jit3A : i32
    %sign3A = arith.constant 0 : i32
    %sign3A_1 = arith.cmpi sgt, %add3A, %sign3A : i32
    %sign3A_2 = arith.extui %sign3A_1 : i1 to i32
    %sign3A_3 = arith.constant 0 : i32
    %sign3A_4 = arith.cmpi slt, %add3A, %sign3A_3 : i32
    %sign3A_5 = arith.extui %sign3A_4 : i1 to i32
    %sign3A_6 = arith.subi %sign3A_2, %sign3A_5 : i32
    %sign3A_7 = arith.constant 0 : i32
    %sign3A_8 = arith.cmpi sgt, %jit3A, %sign3A_7 : i32
    %sign3A_9 = arith.extui %sign3A_8 : i1 to i32
    %sign3A_10 = arith.constant 0 : i32
    %sign3A_11 = arith.cmpi slt, %jit3A, %sign3A_10 : i32
    %sign3A_12 = arith.extui %sign3A_11 : i1 to i32
    %sign3A_13 = arith.subi %sign3A_9, %sign3A_12 : i32
    %ne3A = arith.cmpi ne, %sign3A_6, %sign3A_13 : i32
    %rem3A = arith.remsi %add3A, %jit3A : i32
    %ne3A_14 = arith.constant 0 : i32
    %ne3A_15 = arith.cmpi ne, %rem3A, %ne3A_14 : i32
    %and3A = arith.andi %ne3A, %ne3A_15 : i1
    %sub3A = arith.constant 1 : i32
    %sub3A_16 = arith.subi %div3A, %sub3A : i32
    %select_n3A = arith.select %and3A, %sub3A_16, %div3A : i32
    %mul3A_17 = arith.constant 8 : i32
    %mul3A_18 = arith.muli %select_n3A, %mul3A_17 : i32
    %jit3A_19 = arith.constant 2 : i32
    %eq3A = arith.constant 0 : i32
    %eq3A_20 = arith.cmpi eq, %jit3A_19, %eq3A : i32
    %jit3A_21 = arith.constant 1 : i32
    %select_n3A_22 = arith.select %eq3A_20, %jit3A_21, %jit3A_19 : i32
    %rem3A_23 = arith.remsi %add3A, %select_n3A_22 : i32
    %ne3A_24 = arith.constant 0 : i32
    %ne3A_25 = arith.cmpi ne, %rem3A_23, %ne3A_24 : i32
    %lt3A = arith.constant 0 : i32
    %lt3A_26 = arith.cmpi slt, %rem3A_23, %lt3A : i32
    %lt3A_27 = arith.constant 0 : i32
    %lt3A_28 = arith.cmpi slt, %select_n3A_22, %lt3A_27 : i32
    %ne3A_29 = arith.xori %lt3A_26, %lt3A_28 : i1
    %and3A_30 = arith.andi %ne3A_29, %ne3A_25 : i1
    %add3A_31 = arith.addi %rem3A_23, %select_n3A_22 : i32
    %select_n3A_32 = arith.select %and3A_30, %add3A_31, %rem3A_23 : i32
    %mul3A_33 = arith.constant 6144 : i32
    %mul3A_34 = arith.muli %select_n3A_32, %mul3A_33 : i32
    %add3A_35 = arith.constant 0 : i32
    %add3A_36 = arith.addi %mul3A_34, %add3A_35 : i32
    %dma_start3A = arith.constant 0 : i32
    %dma_start3A_37 = arith.constant 0 : i32
    %dma_start3A_38 = tpu.memref_slice %arg5[%dma_start3A, %dma_start3A_37] : memref<8x6144xf32, #tpu.memory_space<vmem>> -> memref<8x3072xf32, #tpu.memory_space<vmem>>
    %dma_start3A_39 = tpu.memref_slice %arg2[%mul3A_18, %add3A_36] : memref<128x32768xf32, #tpu.memory_space<hbm>> -> memref<8x3072xf32, #tpu.memory_space<hbm>>
    %dma_start3A_40 = arith.constant 0 : i32
    %dma_start3A_41 = arith.constant 0 : i32
    %dma_start3A_42 = tpu.memref_slice %arg5[%dma_start3A_40, %dma_start3A_41] : memref<8x6144xf32, #tpu.memory_space<vmem>> -> memref<8x3072xf32, #tpu.memory_space<vmem>>
    %dma_start3A_43 = tpu.memref_slice %arg2[%mul3A_18, %add3A_36] : memref<128x32768xf32, #tpu.memory_space<hbm>> -> memref<8x3072xf32, #tpu.memory_space<hbm>>
    tpu.enqueue_dma source(%dma_start3A_43 : memref<8x3072xf32, #tpu.memory_space<hbm>>) target(%dma_start3A_42 : memref<8x3072xf32, #tpu.memory_space<vmem>>) target_semaphore(%arg8 : memref<!tpu.dma_semaphore, #tpu.memory_space<semaphore_mem>>)
    %add3A_44 = arith.constant 3072 : i32
    %add3A_45 = arith.addi %mul3A_34, %add3A_44 : i32
    %dma_start3A_46 = arith.constant 0 : i32
    %dma_start3A_47 = arith.constant 3072 : i32
    %dma_start3A_48 = tpu.memref_slice %arg5[%dma_start3A_46, %dma_start3A_47] : memref<8x6144xf32, #tpu.memory_space<vmem>> -> memref<8x3072xf32, #tpu.memory_space<vmem>>
    %dma_start3A_49 = tpu.memref_slice %arg2[%mul3A_18, %add3A_45] : memref<128x32768xf32, #tpu.memory_space<hbm>> -> memref<8x3072xf32, #tpu.memory_space<hbm>>
    %dma_start3A_50 = arith.constant 0 : i32
    %dma_start3A_51 = arith.constant 3072 : i32
    %dma_start3A_52 = tpu.memref_slice %arg5[%dma_start3A_50, %dma_start3A_51] : memref<8x6144xf32, #tpu.memory_space<vmem>> -> memref<8x3072xf32, #tpu.memory_space<vmem>>
    %dma_start3A_53 = tpu.memref_slice %arg2[%mul3A_18, %add3A_45] : memref<128x32768xf32, #tpu.memory_space<hbm>> -> memref<8x3072xf32, #tpu.memory_space<hbm>>
    tpu.enqueue_dma source(%dma_start3A_53 : memref<8x3072xf32, #tpu.memory_space<hbm>>) target(%dma_start3A_52 : memref<8x3072xf32, #tpu.memory_space<vmem>>) target_semaphore(%arg9 : memref<!tpu.dma_semaphore, #tpu.memory_space<semaphore_mem>>)
    %broadcast_in_dim3A = arith.constant 0xFF800000 : f32
    %broadcast_in_dim3A_54 = vector.broadcast %broadcast_in_dim3A : f32 to vector<16xf32>
    %broadcast_in_dim3A_55 = arith.constant 0 : i32
    %broadcast_in_dim3A_56 = vector.broadcast %broadcast_in_dim3A_55 : i32 to vector<16xi32>
    %dma_wait3A = arith.constant 0 : i32
    %dma_wait3A_57 = arith.constant 0 : i32
    %dma_wait3A_58 = tpu.memref_slice %arg5[%dma_wait3A, %dma_wait3A_57] : memref<8x6144xf32, #tpu.memory_space<vmem>> -> memref<8x3072xf32, #tpu.memory_space<vmem>>
    %dma_wait3A_59 = tpu.memref_slice %arg2[%mul3A_18, %add3A_36] : memref<128x32768xf32, #tpu.memory_space<hbm>> -> memref<8x3072xf32, #tpu.memory_space<hbm>>
    %dma_wait3A_60 = arith.constant 0 : i32
    %dma_wait3A_61 = arith.constant 0 : i32
    %dma_wait3A_62 = tpu.memref_slice %arg5[%dma_wait3A_60, %dma_wait3A_61] : memref<8x6144xf32, #tpu.memory_space<vmem>> -> memref<8x3072xf32, #tpu.memory_space<vmem>>
    %dma_wait3A_63 = tpu.memref_slice %arg2[%mul3A_18, %add3A_36] : memref<128x32768xf32, #tpu.memory_space<hbm>> -> memref<8x3072xf32, #tpu.memory_space<hbm>>
    tpu.wait_dma2 semaphore(%arg8 : memref<!tpu.dma_semaphore, #tpu.memory_space<semaphore_mem>>) src(%dma_wait3A_63 : memref<8x3072xf32, #tpu.memory_space<hbm>>) dst(%dma_wait3A_62 : memref<8x3072xf32, #tpu.memory_space<vmem>>)
    %scan3A = arith.constant 0 : i32
    %scan3A_64 = arith.constant 192 : i32
    %scan3A_65 = arith.addi %scan3A, %scan3A_64 : i32
    %scan3A_66 = arith.constant 2 : i32
    %scan3A_67:17 = scf.for %scan3A_225 = %scan3A to %scan3A_65 step %scan3A_66 iter_args(%scan3A_226 = %broadcast_in_dim3A_56, %scan3A_227 = %broadcast_in_dim3A_54, %scan3A_228 = %broadcast_in_dim3A_54, %scan3A_229 = %broadcast_in_dim3A_54, %scan3A_230 = %broadcast_in_dim3A_54, %scan3A_231 = %broadcast_in_dim3A_54, %scan3A_232 = %broadcast_in_dim3A_54, %scan3A_233 = %broadcast_in_dim3A_54, %scan3A_234 = %broadcast_in_dim3A_54, %scan3A_235 = %broadcast_in_dim3A_56, %scan3A_236 = %broadcast_in_dim3A_56, %scan3A_237 = %broadcast_in_dim3A_56, %scan3A_238 = %broadcast_in_dim3A_56, %scan3A_239 = %broadcast_in_dim3A_56, %scan3A_240 = %broadcast_in_dim3A_56, %scan3A_241 = %broadcast_in_dim3A_56, %scan3A_242 = %broadcast_in_dim3A_56) -> (vector<16xi32>, vector<16xf32>, vector<16xf32>, vector<16xf32>, vector<16xf32>, vector<16xf32>, vector<16xf32>, vector<16xf32>, vector<16xf32>, vector<16xi32>, vector<16xi32>, vector<16xi32>, vector<16xi32>, vector<16xi32>, vector<16xi32>, vector<16xi32>, vector<16xi32>)  : i32 {
      %mul3A_243 = arith.constant 16 : i32
      %mul3A_244 = arith.muli %scan3A_225, %mul3A_243 : i32
      %add3A_245 = arith.constant 0 : i32
      %add3A_246 = arith.addi %add3A_245, %mul3A_244 : i32
      %get3A = arith.constant 0 : i32
      %get3A_247 = arith.index_cast %get3A : i32 to index
      %get3A_248 = arith.index_cast %add3A_246 : i32 to index
      %get3A_249 = tpu.vector_load %arg5[%get3A_247, %get3A_248] {strides = array<i32>} : memref<8x6144xf32, #tpu.memory_space<vmem>>, vector<16xf32>,
      %gt3A_250 = arith.cmpf ogt, %get3A_249, %scan3A_227 : vector<16xf32>
      %select_n3A_251 = arith.select %gt3A_250, %get3A_249, %scan3A_227 : vector<16xi1>, vector<16xf32>
      %select_n3A_252 = arith.select %gt3A_250, %scan3A_226, %scan3A_235 : vector<16xi1>, vector<16xi32>
      %mul3A_253 = arith.constant 16 : i32
      %mul3A_254 = arith.muli %scan3A_225, %mul3A_253 : i32
      %add3A_255 = arith.constant 0 : i32
      %add3A_256 = arith.addi %add3A_255, %mul3A_254 : i32
      %get3A_257 = arith.constant 1 : i32
      %get3A_258 = arith.index_cast %get3A_257 : i32 to index
      %get3A_259 = arith.index_cast %add3A_256 : i32 to index
      %get3A_260 = tpu.vector_load %arg5[%get3A_258, %get3A_259] {strides = array<i32>} : memref<8x6144xf32, #tpu.memory_space<vmem>>, vector<16xf32>,
      %gt3A_261 = arith.cmpf ogt, %get3A_260, %scan3A_228 : vector<16xf32>
      %select_n3A_262 = arith.select %gt3A_261, %get3A_260, %scan3A_228 : vector<16xi1>, vector<16xf32>
      %select_n3A_263 = arith.select %gt3A_261, %scan3A_226, %scan3A_236 : vector<16xi1>, vector<16xi32>
      %mul3A_264 = arith.constant 16 : i32
      %mul3A_265 = arith.muli %scan3A_225, %mul3A_264 : i32
      %add3A_266 = arith.constant 0 : i32
      %add3A_267 = arith.addi %add3A_266, %mul3A_265 : i32
      %get3A_268 = arith.constant 2 : i32
      %get3A_269 = arith.index_cast %get3A_268 : i32 to index
      %get3A_270 = arith.index_cast %add3A_267 : i32 to index
      %get3A_271 = tpu.vector_load %arg5[%get3A_269, %get3A_270] {strides = array<i32>} : memref<8x6144xf32, #tpu.memory_space<vmem>>, vector<16xf32>,
      %gt3A_272 = arith.cmpf ogt, %get3A_271, %scan3A_229 : vector<16xf32>
      %select_n3A_273 = arith.select %gt3A_272, %get3A_271, %scan3A_229 : vector<16xi1>, vector<16xf32>
      %select_n3A_274 = arith.select %gt3A_272, %scan3A_226, %scan3A_237 : vector<16xi1>, vector<16xi32>
      %mul3A_275 = arith.constant 16 : i32
      %mul3A_276 = arith.muli %scan3A_225, %mul3A_275 : i32
      %add3A_277 = arith.constant 0 : i32
      %add3A_278 = arith.addi %add3A_277, %mul3A_276 : i32
      %get3A_279 = arith.constant 3 : i32
      %get3A_280 = arith.index_cast %get3A_279 : i32 to index
      %get3A_281 = arith.index_cast %add3A_278 : i32 to index
      %get3A_282 = tpu.vector_load %arg5[%get3A_280, %get3A_281] {strides = array<i32>} : memref<8x6144xf32, #tpu.memory_space<vmem>>, vector<16xf32>,
      %gt3A_283 = arith.cmpf ogt, %get3A_282, %scan3A_230 : vector<16xf32>
      %select_n3A_284 = arith.select %gt3A_283, %get3A_282, %scan3A_230 : vector<16xi1>, vector<16xf32>
      %select_n3A_285 = arith.select %gt3A_283, %scan3A_226, %scan3A_238 : vector<16xi1>, vector<16xi32>
      %mul3A_286 = arith.constant 16 : i32
      %mul3A_287 = arith.muli %scan3A_225, %mul3A_286 : i32
      %add3A_288 = arith.constant 0 : i32
      %add3A_289 = arith.addi %add3A_288, %mul3A_287 : i32
      %get3A_290 = arith.constant 4 : i32
      %get3A_291 = arith.index_cast %get3A_290 : i32 to index
      %get3A_292 = arith.index_cast %add3A_289 : i32 to index
      %get3A_293 = tpu.vector_load %arg5[%get3A_291, %get3A_292] {strides = array<i32>} : memref<8x6144xf32, #tpu.memory_space<vmem>>, vector<16xf32>,
      %gt3A_294 = arith.cmpf ogt, %get3A_293, %scan3A_231 : vector<16xf32>
      %select_n3A_295 = arith.select %gt3A_294, %get3A_293, %scan3A_231 : vector<16xi1>, vector<16xf32>
      %select_n3A_296 = arith.select %gt3A_294, %scan3A_226, %scan3A_239 : vector<16xi1>, vector<16xi32>
      %mul3A_297 = arith.constant 16 : i32
      %mul3A_298 = arith.muli %scan3A_225, %mul3A_297 : i32
      %add3A_299 = arith.constant 0 : i32
      %add3A_300 = arith.addi %add3A_299, %mul3A_298 : i32
      %get3A_301 = arith.constant 5 : i32
      %get3A_302 = arith.index_cast %get3A_301 : i32 to index
      %get3A_303 = arith.index_cast %add3A_300 : i32 to index
      %get3A_304 = tpu.vector_load %arg5[%get3A_302, %get3A_303] {strides = array<i32>} : memref<8x6144xf32, #tpu.memory_space<vmem>>, vector<16xf32>,
      %gt3A_305 = arith.cmpf ogt, %get3A_304, %scan3A_232 : vector<16xf32>
      %select_n3A_306 = arith.select %gt3A_305, %get3A_304, %scan3A_232 : vector<16xi1>, vector<16xf32>
      %select_n3A_307 = arith.select %gt3A_305, %scan3A_226, %scan3A_240 : vector<16xi1>, vector<16xi32>
      %mul3A_308 = arith.constant 16 : i32
      %mul3A_309 = arith.muli %scan3A_225, %mul3A_308 : i32
      %add3A_310 = arith.constant 0 : i32
      %add3A_311 = arith.addi %add3A_310, %mul3A_309 : i32
      %get3A_312 = arith.constant 6 : i32
      %get3A_313 = arith.index_cast %get3A_312 : i32 to index
      %get3A_314 = arith.index_cast %add3A_311 : i32 to index
      %get3A_315 = tpu.vector_load %arg5[%get3A_313, %get3A_314] {strides = array<i32>} : memref<8x6144xf32, #tpu.memory_space<vmem>>, vector<16xf32>,
      %gt3A_316 = arith.cmpf ogt, %get3A_315, %scan3A_233 : vector<16xf32>
      %select_n3A_317 = arith.select %gt3A_316, %get3A_315, %scan3A_233 : vector<16xi1>, vector<16xf32>
      %select_n3A_318 = arith.select %gt3A_316, %scan3A_226, %scan3A_241 : vector<16xi1>, vector<16xi32>
      %mul3A_319 = arith.constant 16 : i32
      %mul3A_320 = arith.muli %scan3A_225, %mul3A_319 : i32
      %add3A_321 = arith.constant 0 : i32
      %add3A_322 = arith.addi %add3A_321, %mul3A_320 : i32
      %get3A_323 = arith.constant 7 : i32
      %get3A_324 = arith.index_cast %get3A_323 : i32 to index
      %get3A_325 = arith.index_cast %add3A_322 : i32 to index
      %get3A_326 = tpu.vector_load %arg5[%get3A_324, %get3A_325] {strides = array<i32>} : memref<8x6144xf32, #tpu.memory_space<vmem>>, vector<16xf32>,
      %gt3A_327 = arith.cmpf ogt, %get3A_326, %scan3A_234 : vector<16xf32>
      %select_n3A_328 = arith.select %gt3A_327, %get3A_326, %scan3A_234 : vector<16xi1>, vector<16xf32>
      %select_n3A_329 = arith.select %gt3A_327, %scan3A_226, %scan3A_242 : vector<16xi1>, vector<16xi32>
      %add3A_330 = arith.constant 1 : i32
      %add3A_331 = vector.broadcast %add3A_330 : i32 to vector<16xi32>
      %add3A_332 = arith.addi %scan3A_226, %add3A_331 : vector<16xi32>
      %scan3A_333 = arith.constant 1 : i32
      %scan3A_334 = arith.addi %scan3A_225, %scan3A_333 : i32
      %mul3A_335 = arith.constant 16 : i32
      %mul3A_336 = arith.muli %scan3A_334, %mul3A_335 : i32
      %add3A_337 = arith.constant 0 : i32
      %add3A_338 = arith.addi %add3A_337, %mul3A_336 : i32
      %get3A_339 = arith.constant 0 : i32
      %get3A_340 = arith.index_cast %get3A_339 : i32 to index
      %get3A_341 = arith.index_cast %add3A_338 : i32 to index
      %get3A_342 = tpu.vector_load %arg5[%get3A_340, %get3A_341] {strides = array<i32>} : memref<8x6144xf32, #tpu.memory_space<vmem>>, vector<16xf32>,
      %gt3A_343 = arith.cmpf ogt, %get3A_342, %select_n3A_251 : vector<16xf32>
      %select_n3A_344 = arith.select %gt3A_343, %get3A_342, %select_n3A_251 : vector<16xi1>, vector<16xf32>
      %select_n3A_345 = arith.select %gt3A_343, %add3A_332, %select_n3A_252 : vector<16xi1>, vector<16xi32>
      %mul3A_346 = arith.constant 16 : i32
      %mul3A_347 = arith.muli %scan3A_334, %mul3A_346 : i32
      %add3A_348 = arith.constant 0 : i32
      %add3A_349 = arith.addi %add3A_348, %mul3A_347 : i32
      %get3A_350 = arith.constant 1 : i32
      %get3A_351 = arith.index_cast %get3A_350 : i32 to index
      %get3A_352 = arith.index_cast %add3A_349 : i32 to index
      %get3A_353 = tpu.vector_load %arg5[%get3A_351, %get3A_352] {strides = array<i32>} : memref<8x6144xf32, #tpu.memory_space<vmem>>, vector<16xf32>,
      %gt3A_354 = arith.cmpf ogt, %get3A_353, %select_n3A_262 : vector<16xf32>
      %select_n3A_355 = arith.select %gt3A_354, %get3A_353, %select_n3A_262 : vector<16xi1>, vector<16xf32>
      %select_n3A_356 = arith.select %gt3A_354, %add3A_332, %select_n3A_263 : vector<16xi1>, vector<16xi32>
      %mul3A_357 = arith.constant 16 : i32
      %mul3A_358 = arith.muli %scan3A_334, %mul3A_357 : i32
      %add3A_359 = arith.constant 0 : i32
      %add3A_360 = arith.addi %add3A_359, %mul3A_358 : i32
      %get3A_361 = arith.constant 2 : i32
      %get3A_362 = arith.index_cast %get3A_361 : i32 to index
      %get3A_363 = arith.index_cast %add3A_360 : i32 to index
      %get3A_364 = tpu.vector_load %arg5[%get3A_362, %get3A_363] {strides = array<i32>} : memref<8x6144xf32, #tpu.memory_space<vmem>>, vector<16xf32>,
      %gt3A_365 = arith.cmpf ogt, %get3A_364, %select_n3A_273 : vector<16xf32>
      %select_n3A_366 = arith.select %gt3A_365, %get3A_364, %select_n3A_273 : vector<16xi1>, vector<16xf32>
      %select_n3A_367 = arith.select %gt3A_365, %add3A_332, %select_n3A_274 : vector<16xi1>, vector<16xi32>
      %mul3A_368 = arith.constant 16 : i32
      %mul3A_369 = arith.muli %scan3A_334, %mul3A_368 : i32
      %add3A_370 = arith.constant 0 : i32
      %add3A_371 = arith.addi %add3A_370, %mul3A_369 : i32
      %get3A_372 = arith.constant 3 : i32
      %get3A_373 = arith.index_cast %get3A_372 : i32 to index
      %get3A_374 = arith.index_cast %add3A_371 : i32 to index
      %get3A_375 = tpu.vector_load %arg5[%get3A_373, %get3A_374] {strides = array<i32>} : memref<8x6144xf32, #tpu.memory_space<vmem>>, vector<16xf32>,
      %gt3A_376 = arith.cmpf ogt, %get3A_375, %select_n3A_284 : vector<16xf32>
      %select_n3A_377 = arith.select %gt3A_376, %get3A_375, %select_n3A_284 : vector<16xi1>, vector<16xf32>
      %select_n3A_378 = arith.select %gt3A_376, %add3A_332, %select_n3A_285 : vector<16xi1>, vector<16xi32>
      %mul3A_379 = arith.constant 16 : i32
      %mul3A_380 = arith.muli %scan3A_334, %mul3A_379 : i32
      %add3A_381 = arith.constant 0 : i32
      %add3A_382 = arith.addi %add3A_381, %mul3A_380 : i32
      %get3A_383 = arith.constant 4 : i32
      %get3A_384 = arith.index_cast %get3A_383 : i32 to index
      %get3A_385 = arith.index_cast %add3A_382 : i32 to index
      %get3A_386 = tpu.vector_load %arg5[%get3A_384, %get3A_385] {strides = array<i32>} : memref<8x6144xf32, #tpu.memory_space<vmem>>, vector<16xf32>,
      %gt3A_387 = arith.cmpf ogt, %get3A_386, %select_n3A_295 : vector<16xf32>
      %select_n3A_388 = arith.select %gt3A_387, %get3A_386, %select_n3A_295 : vector<16xi1>, vector<16xf32>
      %select_n3A_389 = arith.select %gt3A_387, %add3A_332, %select_n3A_296 : vector<16xi1>, vector<16xi32>
      %mul3A_390 = arith.constant 16 : i32
      %mul3A_391 = arith.muli %scan3A_334, %mul3A_390 : i32
      %add3A_392 = arith.constant 0 : i32
      %add3A_393 = arith.addi %add3A_392, %mul3A_391 : i32
      %get3A_394 = arith.constant 5 : i32
      %get3A_395 = arith.index_cast %get3A_394 : i32 to index
      %get3A_396 = arith.index_cast %add3A_393 : i32 to index
      %get3A_397 = tpu.vector_load %arg5[%get3A_395, %get3A_396] {strides = array<i32>} : memref<8x6144xf32, #tpu.memory_space<vmem>>, vector<16xf32>,
      %gt3A_398 = arith.cmpf ogt, %get3A_397, %select_n3A_306 : vector<16xf32>
      %select_n3A_399 = arith.select %gt3A_398, %get3A_397, %select_n3A_306 : vector<16xi1>, vector<16xf32>
      %select_n3A_400 = arith.select %gt3A_398, %add3A_332, %select_n3A_307 : vector<16xi1>, vector<16xi32>
      %mul3A_401 = arith.constant 16 : i32
      %mul3A_402 = arith.muli %scan3A_334, %mul3A_401 : i32
      %add3A_403 = arith.constant 0 : i32
      %add3A_404 = arith.addi %add3A_403, %mul3A_402 : i32
      %get3A_405 = arith.constant 6 : i32
      %get3A_406 = arith.index_cast %get3A_405 : i32 to index
      %get3A_407 = arith.index_cast %add3A_404 : i32 to index
      %get3A_408 = tpu.vector_load %arg5[%get3A_406, %get3A_407] {strides = array<i32>} : memref<8x6144xf32, #tpu.memory_space<vmem>>, vector<16xf32>,
      %gt3A_409 = arith.cmpf ogt, %get3A_408, %select_n3A_317 : vector<16xf32>
      %select_n3A_410 = arith.select %gt3A_409, %get3A_408, %select_n3A_317 : vector<16xi1>, vector<16xf32>
      %select_n3A_411 = arith.select %gt3A_409, %add3A_332, %select_n3A_318 : vector<16xi1>, vector<16xi32>
      %mul3A_412 = arith.constant 16 : i32
      %mul3A_413 = arith.muli %scan3A_334, %mul3A_412 : i32
      %add3A_414 = arith.constant 0 : i32
      %add3A_415 = arith.addi %add3A_414, %mul3A_413 : i32
      %get3A_416 = arith.constant 7 : i32
      %get3A_417 = arith.index_cast %get3A_416 : i32 to index
      %get3A_418 = arith.index_cast %add3A_415 : i32 to index
      %get3A_419 = tpu.vector_load %arg5[%get3A_417, %get3A_418] {strides = array<i32>} : memref<8x6144xf32, #tpu.memory_space<vmem>>, vector<16xf32>,
      %gt3A_420 = arith.cmpf ogt, %get3A_419, %select_n3A_328 : vector<16xf32>
      %select_n3A_421 = arith.select %gt3A_420, %get3A_419, %select_n3A_328 : vector<16xi1>, vector<16xf32>
      %select_n3A_422 = arith.select %gt3A_420, %add3A_332, %select_n3A_329 : vector<16xi1>, vector<16xi32>
      %add3A_423 = arith.constant 1 : i32
      %add3A_424 = vector.broadcast %add3A_423 : i32 to vector<16xi32>
      %add3A_425 = arith.addi %add3A_332, %add3A_424 : vector<16xi32>
      scf.yield %add3A_425, %select_n3A_344, %select_n3A_355, %select_n3A_366, %select_n3A_377, %select_n3A_388, %select_n3A_399, %select_n3A_410, %select_n3A_421, %select_n3A_345, %select_n3A_356, %select_n3A_367, %select_n3A_378, %select_n3A_389, %select_n3A_400, %select_n3A_411, %select_n3A_422 : vector<16xi32>, vector<16xf32>, vector<16xf32>, vector<16xf32>, vector<16xf32>, vector<16xf32>, vector<16xf32>, vector<16xf32>, vector<16xf32>, vector<16xi32>, vector<16xi32>, vector<16xi32>, vector<16xi32>, vector<16xi32>, vector<16xi32>, vector<16xi32>, vector<16xi32>
    }
    %scan3A_68 = arith.constant 192 : i32
    %dma_wait3A_69 = arith.constant 0 : i32
    %dma_wait3A_70 = arith.constant 3072 : i32
    %dma_wait3A_71 = tpu.memref_slice %arg5[%dma_wait3A_69, %dma_wait3A_70] : memref<8x6144xf32, #tpu.memory_space<vmem>> -> memref<8x3072xf32, #tpu.memory_space<vmem>>
    %dma_wait3A_72 = tpu.memref_slice %arg2[%mul3A_18, %add3A_45] : memref<128x32768xf32, #tpu.memory_space<hbm>> -> memref<8x3072xf32, #tpu.memory_space<hbm>>
    %dma_wait3A_73 = arith.constant 0 : i32
    %dma_wait3A_74 = arith.constant 3072 : i32
    %dma_wait3A_75 = tpu.memref_slice %arg5[%dma_wait3A_73, %dma_wait3A_74] : memref<8x6144xf32, #tpu.memory_space<vmem>> -> memref<8x3072xf32, #tpu.memory_space<vmem>>
    %dma_wait3A_76 = tpu.memref_slice %arg2[%mul3A_18, %add3A_45] : memref<128x32768xf32, #tpu.memory_space<hbm>> -> memref<8x3072xf32, #tpu.memory_space<hbm>>
    tpu.wait_dma2 semaphore(%arg9 : memref<!tpu.dma_semaphore, #tpu.memory_space<semaphore_mem>>) src(%dma_wait3A_76 : memref<8x3072xf32, #tpu.memory_space<hbm>>) dst(%dma_wait3A_75 : memref<8x3072xf32, #tpu.memory_space<vmem>>)
    %scan3A_77 = arith.constant 0 : i32
    %scan3A_78 = arith.constant 192 : i32
    %scan3A_79 = arith.addi %scan3A_77, %scan3A_78 : i32
    %scan3A_80 = arith.constant 2 : i32
    %scan3A_81:17 = scf.for %scan3A_225 = %scan3A_77 to %scan3A_79 step %scan3A_80 iter_args(%scan3A_226 = %scan3A_67#0, %scan3A_227 = %scan3A_67#1, %scan3A_228 = %scan3A_67#2, %scan3A_229 = %scan3A_67#3, %scan3A_230 = %scan3A_67#4, %scan3A_231 = %scan3A_67#5, %scan3A_232 = %scan3A_67#6, %scan3A_233 = %scan3A_67#7, %scan3A_234 = %scan3A_67#8, %scan3A_235 = %scan3A_67#9, %scan3A_236 = %scan3A_67#10, %scan3A_237 = %scan3A_67#11, %scan3A_238 = %scan3A_67#12, %scan3A_239 = %scan3A_67#13, %scan3A_240 = %scan3A_67#14, %scan3A_241 = %scan3A_67#15, %scan3A_242 = %scan3A_67#16) -> (vector<16xi32>, vector<16xf32>, vector<16xf32>, vector<16xf32>, vector<16xf32>, vector<16xf32>, vector<16xf32>, vector<16xf32>, vector<16xf32>, vector<16xi32>, vector<16xi32>, vector<16xi32>, vector<16xi32>, vector<16xi32>, vector<16xi32>, vector<16xi32>, vector<16xi32>)  : i32 {
      %mul3A_243 = arith.constant 16 : i32
      %mul3A_244 = arith.muli %scan3A_225, %mul3A_243 : i32
      %add3A_245 = arith.constant 3072 : i32
      %add3A_246 = arith.addi %add3A_245, %mul3A_244 : i32
      %get3A = arith.constant 0 : i32
      %get3A_247 = arith.index_cast %get3A : i32 to index
      %get3A_248 = arith.index_cast %add3A_246 : i32 to index
      %get3A_249 = tpu.vector_load %arg5[%get3A_247, %get3A_248] {strides = array<i32>} : memref<8x6144xf32, #tpu.memory_space<vmem>>, vector<16xf32>,
      %gt3A_250 = arith.cmpf ogt, %get3A_249, %scan3A_227 : vector<16xf32>
      %select_n3A_251 = arith.select %gt3A_250, %get3A_249, %scan3A_227 : vector<16xi1>, vector<16xf32>
      %select_n3A_252 = arith.select %gt3A_250, %scan3A_226, %scan3A_235 : vector<16xi1>, vector<16xi32>
      %mul3A_253 = arith.constant 16 : i32
      %mul3A_254 = arith.muli %scan3A_225, %mul3A_253 : i32
      %add3A_255 = arith.constant 3072 : i32
      %add3A_256 = arith.addi %add3A_255, %mul3A_254 : i32
      %get3A_257 = arith.constant 1 : i32
      %get3A_258 = arith.index_cast %get3A_257 : i32 to index
      %get3A_259 = arith.index_cast %add3A_256 : i32 to index
      %get3A_260 = tpu.vector_load %arg5[%get3A_258, %get3A_259] {strides = array<i32>} : memref<8x6144xf32, #tpu.memory_space<vmem>>, vector<16xf32>,
      %gt3A_261 = arith.cmpf ogt, %get3A_260, %scan3A_228 : vector<16xf32>
      %select_n3A_262 = arith.select %gt3A_261, %get3A_260, %scan3A_228 : vector<16xi1>, vector<16xf32>
      %select_n3A_263 = arith.select %gt3A_261, %scan3A_226, %scan3A_236 : vector<16xi1>, vector<16xi32>
      %mul3A_264 = arith.constant 16 : i32
      %mul3A_265 = arith.muli %scan3A_225, %mul3A_264 : i32
      %add3A_266 = arith.constant 3072 : i32
      %add3A_267 = arith.addi %add3A_266, %mul3A_265 : i32
      %get3A_268 = arith.constant 2 : i32
      %get3A_269 = arith.index_cast %get3A_268 : i32 to index
      %get3A_270 = arith.index_cast %add3A_267 : i32 to index
      %get3A_271 = tpu.vector_load %arg5[%get3A_269, %get3A_270] {strides = array<i32>} : memref<8x6144xf32, #tpu.memory_space<vmem>>, vector<16xf32>,
      %gt3A_272 = arith.cmpf ogt, %get3A_271, %scan3A_229 : vector<16xf32>
      %select_n3A_273 = arith.select %gt3A_272, %get3A_271, %scan3A_229 : vector<16xi1>, vector<16xf32>
      %select_n3A_274 = arith.select %gt3A_272, %scan3A_226, %scan3A_237 : vector<16xi1>, vector<16xi32>
      %mul3A_275 = arith.constant 16 : i32
      %mul3A_276 = arith.muli %scan3A_225, %mul3A_275 : i32
      %add3A_277 = arith.constant 3072 : i32
      %add3A_278 = arith.addi %add3A_277, %mul3A_276 : i32
      %get3A_279 = arith.constant 3 : i32
      %get3A_280 = arith.index_cast %get3A_279 : i32 to index
      %get3A_281 = arith.index_cast %add3A_278 : i32 to index
      %get3A_282 = tpu.vector_load %arg5[%get3A_280, %get3A_281] {strides = array<i32>} : memref<8x6144xf32, #tpu.memory_space<vmem>>, vector<16xf32>,
      %gt3A_283 = arith.cmpf ogt, %get3A_282, %scan3A_230 : vector<16xf32>
      %select_n3A_284 = arith.select %gt3A_283, %get3A_282, %scan3A_230 : vector<16xi1>, vector<16xf32>
      %select_n3A_285 = arith.select %gt3A_283, %scan3A_226, %scan3A_238 : vector<16xi1>, vector<16xi32>
      %mul3A_286 = arith.constant 16 : i32
      %mul3A_287 = arith.muli %scan3A_225, %mul3A_286 : i32
      %add3A_288 = arith.constant 3072 : i32
      %add3A_289 = arith.addi %add3A_288, %mul3A_287 : i32
      %get3A_290 = arith.constant 4 : i32
      %get3A_291 = arith.index_cast %get3A_290 : i32 to index
      %get3A_292 = arith.index_cast %add3A_289 : i32 to index
      %get3A_293 = tpu.vector_load %arg5[%get3A_291, %get3A_292] {strides = array<i32>} : memref<8x6144xf32, #tpu.memory_space<vmem>>, vector<16xf32>,
      %gt3A_294 = arith.cmpf ogt, %get3A_293, %scan3A_231 : vector<16xf32>
      %select_n3A_295 = arith.select %gt3A_294, %get3A_293, %scan3A_231 : vector<16xi1>, vector<16xf32>
      %select_n3A_296 = arith.select %gt3A_294, %scan3A_226, %scan3A_239 : vector<16xi1>, vector<16xi32>
      %mul3A_297 = arith.constant 16 : i32
      %mul3A_298 = arith.muli %scan3A_225, %mul3A_297 : i32
      %add3A_299 = arith.constant 3072 : i32
      %add3A_300 = arith.addi %add3A_299, %mul3A_298 : i32
      %get3A_301 = arith.constant 5 : i32
      %get3A_302 = arith.index_cast %get3A_301 : i32 to index
      %get3A_303 = arith.index_cast %add3A_300 : i32 to index
      %get3A_304 = tpu.vector_load %arg5[%get3A_302, %get3A_303] {strides = array<i32>} : memref<8x6144xf32, #tpu.memory_space<vmem>>, vector<16xf32>,
      %gt3A_305 = arith.cmpf ogt, %get3A_304, %scan3A_232 : vector<16xf32>
      %select_n3A_306 = arith.select %gt3A_305, %get3A_304, %scan3A_232 : vector<16xi1>, vector<16xf32>
      %select_n3A_307 = arith.select %gt3A_305, %scan3A_226, %scan3A_240 : vector<16xi1>, vector<16xi32>
      %mul3A_308 = arith.constant 16 : i32
      %mul3A_309 = arith.muli %scan3A_225, %mul3A_308 : i32
      %add3A_310 = arith.constant 3072 : i32
      %add3A_311 = arith.addi %add3A_310, %mul3A_309 : i32
      %get3A_312 = arith.constant 6 : i32
      %get3A_313 = arith.index_cast %get3A_312 : i32 to index
      %get3A_314 = arith.index_cast %add3A_311 : i32 to index
      %get3A_315 = tpu.vector_load %arg5[%get3A_313, %get3A_314] {strides = array<i32>} : memref<8x6144xf32, #tpu.memory_space<vmem>>, vector<16xf32>,
      %gt3A_316 = arith.cmpf ogt, %get3A_315, %scan3A_233 : vector<16xf32>
      %select_n3A_317 = arith.select %gt3A_316, %get3A_315, %scan3A_233 : vector<16xi1>, vector<16xf32>
      %select_n3A_318 = arith.select %gt3A_316, %scan3A_226, %scan3A_241 : vector<16xi1>, vector<16xi32>
      %mul3A_319 = arith.constant 16 : i32
      %mul3A_320 = arith.muli %scan3A_225, %mul3A_319 : i32
      %add3A_321 = arith.constant 3072 : i32
      %add3A_322 = arith.addi %add3A_321, %mul3A_320 : i32
      %get3A_323 = arith.constant 7 : i32
      %get3A_324 = arith.index_cast %get3A_323 : i32 to index
      %get3A_325 = arith.index_cast %add3A_322 : i32 to index
      %get3A_326 = tpu.vector_load %arg5[%get3A_324, %get3A_325] {strides = array<i32>} : memref<8x6144xf32, #tpu.memory_space<vmem>>, vector<16xf32>,
      %gt3A_327 = arith.cmpf ogt, %get3A_326, %scan3A_234 : vector<16xf32>
      %select_n3A_328 = arith.select %gt3A_327, %get3A_326, %scan3A_234 : vector<16xi1>, vector<16xf32>
      %select_n3A_329 = arith.select %gt3A_327, %scan3A_226, %scan3A_242 : vector<16xi1>, vector<16xi32>
      %add3A_330 = arith.constant 1 : i32
      %add3A_331 = vector.broadcast %add3A_330 : i32 to vector<16xi32>
      %add3A_332 = arith.addi %scan3A_226, %add3A_331 : vector<16xi32>
      %scan3A_333 = arith.constant 1 : i32
      %scan3A_334 = arith.addi %scan3A_225, %scan3A_333 : i32
      %mul3A_335 = arith.constant 16 : i32
      %mul3A_336 = arith.muli %scan3A_334, %mul3A_335 : i32
      %add3A_337 = arith.constant 3072 : i32
      %add3A_338 = arith.addi %add3A_337, %mul3A_336 : i32
      %get3A_339 = arith.constant 0 : i32
      %get3A_340 = arith.index_cast %get3A_339 : i32 to index
      %get3A_341 = arith.index_cast %add3A_338 : i32 to index
      %get3A_342 = tpu.vector_load %arg5[%get3A_340, %get3A_341] {strides = array<i32>} : memref<8x6144xf32, #tpu.memory_space<vmem>>, vector<16xf32>,
      %gt3A_343 = arith.cmpf ogt, %get3A_342, %select_n3A_251 : vector<16xf32>
      %select_n3A_344 = arith.select %gt3A_343, %get3A_342, %select_n3A_251 : vector<16xi1>, vector<16xf32>
      %select_n3A_345 = arith.select %gt3A_343, %add3A_332, %select_n3A_252 : vector<16xi1>, vector<16xi32>
      %mul3A_346 = arith.constant 16 : i32
      %mul3A_347 = arith.muli %scan3A_334, %mul3A_346 : i32
      %add3A_348 = arith.constant 3072 : i32
      %add3A_349 = arith.addi %add3A_348, %mul3A_347 : i32
      %get3A_350 = arith.constant 1 : i32
      %get3A_351 = arith.index_cast %get3A_350 : i32 to index
      %get3A_352 = arith.index_cast %add3A_349 : i32 to index
      %get3A_353 = tpu.vector_load %arg5[%get3A_351, %get3A_352] {strides = array<i32>} : memref<8x6144xf32, #tpu.memory_space<vmem>>, vector<16xf32>,
      %gt3A_354 = arith.cmpf ogt, %get3A_353, %select_n3A_262 : vector<16xf32>
      %select_n3A_355 = arith.select %gt3A_354, %get3A_353, %select_n3A_262 : vector<16xi1>, vector<16xf32>
      %select_n3A_356 = arith.select %gt3A_354, %add3A_332, %select_n3A_263 : vector<16xi1>, vector<16xi32>
      %mul3A_357 = arith.constant 16 : i32
      %mul3A_358 = arith.muli %scan3A_334, %mul3A_357 : i32
      %add3A_359 = arith.constant 3072 : i32
      %add3A_360 = arith.addi %add3A_359, %mul3A_358 : i32
      %get3A_361 = arith.constant 2 : i32
      %get3A_362 = arith.index_cast %get3A_361 : i32 to index
      %get3A_363 = arith.index_cast %add3A_360 : i32 to index
      %get3A_364 = tpu.vector_load %arg5[%get3A_362, %get3A_363] {strides = array<i32>} : memref<8x6144xf32, #tpu.memory_space<vmem>>, vector<16xf32>,
      %gt3A_365 = arith.cmpf ogt, %get3A_364, %select_n3A_273 : vector<16xf32>
      %select_n3A_366 = arith.select %gt3A_365, %get3A_364, %select_n3A_273 : vector<16xi1>, vector<16xf32>
      %select_n3A_367 = arith.select %gt3A_365, %add3A_332, %select_n3A_274 : vector<16xi1>, vector<16xi32>
      %mul3A_368 = arith.constant 16 : i32
      %mul3A_369 = arith.muli %scan3A_334, %mul3A_368 : i32
      %add3A_370 = arith.constant 3072 : i32
      %add3A_371 = arith.addi %add3A_370, %mul3A_369 : i32
      %get3A_372 = arith.constant 3 : i32
      %get3A_373 = arith.index_cast %get3A_372 : i32 to index
      %get3A_374 = arith.index_cast %add3A_371 : i32 to index
      %get3A_375 = tpu.vector_load %arg5[%get3A_373, %get3A_374] {strides = array<i32>} : memref<8x6144xf32, #tpu.memory_space<vmem>>, vector<16xf32>,
      %gt3A_376 = arith.cmpf ogt, %get3A_375, %select_n3A_284 : vector<16xf32>
      %select_n3A_377 = arith.select %gt3A_376, %get3A_375, %select_n3A_284 : vector<16xi1>, vector<16xf32>
      %select_n3A_378 = arith.select %gt3A_376, %add3A_332, %select_n3A_285 : vector<16xi1>, vector<16xi32>
      %mul3A_379 = arith.constant 16 : i32
      %mul3A_380 = arith.muli %scan3A_334, %mul3A_379 : i32
      %add3A_381 = arith.constant 3072 : i32
      %add3A_382 = arith.addi %add3A_381, %mul3A_380 : i32
      %get3A_383 = arith.constant 4 : i32
      %get3A_384 = arith.index_cast %get3A_383 : i32 to index
      %get3A_385 = arith.index_cast %add3A_382 : i32 to index
      %get3A_386 = tpu.vector_load %arg5[%get3A_384, %get3A_385] {strides = array<i32>} : memref<8x6144xf32, #tpu.memory_space<vmem>>, vector<16xf32>,
      %gt3A_387 = arith.cmpf ogt, %get3A_386, %select_n3A_295 : vector<16xf32>
      %select_n3A_388 = arith.select %gt3A_387, %get3A_386, %select_n3A_295 : vector<16xi1>, vector<16xf32>
      %select_n3A_389 = arith.select %gt3A_387, %add3A_332, %select_n3A_296 : vector<16xi1>, vector<16xi32>
      %mul3A_390 = arith.constant 16 : i32
      %mul3A_391 = arith.muli %scan3A_334, %mul3A_390 : i32
      %add3A_392 = arith.constant 3072 : i32
      %add3A_393 = arith.addi %add3A_392, %mul3A_391 : i32
      %get3A_394 = arith.constant 5 : i32
      %get3A_395 = arith.index_cast %get3A_394 : i32 to index
      %get3A_396 = arith.index_cast %add3A_393 : i32 to index
      %get3A_397 = tpu.vector_load %arg5[%get3A_395, %get3A_396] {strides = array<i32>} : memref<8x6144xf32, #tpu.memory_space<vmem>>, vector<16xf32>,
      %gt3A_398 = arith.cmpf ogt, %get3A_397, %select_n3A_306 : vector<16xf32>
      %select_n3A_399 = arith.select %gt3A_398, %get3A_397, %select_n3A_306 : vector<16xi1>, vector<16xf32>
      %select_n3A_400 = arith.select %gt3A_398, %add3A_332, %select_n3A_307 : vector<16xi1>, vector<16xi32>
      %mul3A_401 = arith.constant 16 : i32
      %mul3A_402 = arith.muli %scan3A_334, %mul3A_401 : i32
      %add3A_403 = arith.constant 3072 : i32
      %add3A_404 = arith.addi %add3A_403, %mul3A_402 : i32
      %get3A_405 = arith.constant 6 : i32
      %get3A_406 = arith.index_cast %get3A_405 : i32 to index
      %get3A_407 = arith.index_cast %add3A_404 : i32 to index
      %get3A_408 = tpu.vector_load %arg5[%get3A_406, %get3A_407] {strides = array<i32>} : memref<8x6144xf32, #tpu.memory_space<vmem>>, vector<16xf32>,
      %gt3A_409 = arith.cmpf ogt, %get3A_408, %select_n3A_317 : vector<16xf32>
      %select_n3A_410 = arith.select %gt3A_409, %get3A_408, %select_n3A_317 : vector<16xi1>, vector<16xf32>
      %select_n3A_411 = arith.select %gt3A_409, %add3A_332, %select_n3A_318 : vector<16xi1>, vector<16xi32>
      %mul3A_412 = arith.constant 16 : i32
      %mul3A_413 = arith.muli %scan3A_334, %mul3A_412 : i32
      %add3A_414 = arith.constant 3072 : i32
      %add3A_415 = arith.addi %add3A_414, %mul3A_413 : i32
      %get3A_416 = arith.constant 7 : i32
      %get3A_417 = arith.index_cast %get3A_416 : i32 to index
      %get3A_418 = arith.index_cast %add3A_415 : i32 to index
      %get3A_419 = tpu.vector_load %arg5[%get3A_417, %get3A_418] {strides = array<i32>} : memref<8x6144xf32, #tpu.memory_space<vmem>>, vector<16xf32>,
      %gt3A_420 = arith.cmpf ogt, %get3A_419, %select_n3A_328 : vector<16xf32>
      %select_n3A_421 = arith.select %gt3A_420, %get3A_419, %select_n3A_328 : vector<16xi1>, vector<16xf32>
      %select_n3A_422 = arith.select %gt3A_420, %add3A_332, %select_n3A_329 : vector<16xi1>, vector<16xi32>
      %add3A_423 = arith.constant 1 : i32
      %add3A_424 = vector.broadcast %add3A_423 : i32 to vector<16xi32>
      %add3A_425 = arith.addi %add3A_332, %add3A_424 : vector<16xi32>
      scf.yield %add3A_425, %select_n3A_344, %select_n3A_355, %select_n3A_366, %select_n3A_377, %select_n3A_388, %select_n3A_399, %select_n3A_410, %select_n3A_421, %select_n3A_345, %select_n3A_356, %select_n3A_367, %select_n3A_378, %select_n3A_389, %select_n3A_400, %select_n3A_411, %select_n3A_422 : vector<16xi32>, vector<16xf32>, vector<16xf32>, vector<16xf32>, vector<16xf32>, vector<16xf32>, vector<16xf32>, vector<16xf32>, vector<16xf32>, vector<16xi32>, vector<16xi32>, vector<16xi32>, vector<16xi32>, vector<16xi32>, vector<16xi32>, vector<16xi32>, vector<16xi32>
    }
    %scan3A_82 = arith.constant 192 : i32
    %iota3A = tpu.iota {dimensions = array<i32: 0>} : vector<16xi32>
    %add3A_83 = arith.constant 0 : i32
    %add3A_84 = arith.addi %mul3A_18, %add3A_83 : i32
    %mul3A_85 = arith.constant 32768 : i32
    %mul3A_86 = arith.muli %add3A_84, %mul3A_85 : i32
    %add3A_87 = arith.addi %mul3A_86, %mul3A_34 : i32
    %mul3A_88 = arith.constant 16 : i32
    %mul3A_89 = vector.broadcast %mul3A_88 : i32 to vector<16xi32>
    %mul3A_90 = arith.muli %scan3A_81#9, %mul3A_89 : vector<16xi32>
    %add3A_91 = vector.broadcast %add3A_87 : i32 to vector<16xi32>
    %add3A_92 = arith.addi %add3A_91, %mul3A_90 : vector<16xi32>
    %add3A_93 = arith.addi %add3A_92, %iota3A : vector<16xi32>
    %add3A_94 = arith.constant 1 : i32
    %add3A_95 = arith.addi %mul3A_18, %add3A_94 : i32
    %mul3A_96 = arith.constant 32768 : i32
    %mul3A_97 = arith.muli %add3A_95, %mul3A_96 : i32
    %add3A_98 = arith.addi %mul3A_97, %mul3A_34 : i32
    %mul3A_99 = arith.constant 16 : i32
    %mul3A_100 = vector.broadcast %mul3A_99 : i32 to vector<16xi32>
    %mul3A_101 = arith.muli %scan3A_81#10, %mul3A_100 : vector<16xi32>
    %add3A_102 = vector.broadcast %add3A_98 : i32 to vector<16xi32>
    %add3A_103 = arith.addi %add3A_102, %mul3A_101 : vector<16xi32>
    %add3A_104 = arith.addi %add3A_103, %iota3A : vector<16xi32>
    %gt3A = arith.cmpf ogt, %scan3A_81#2, %scan3A_81#1 : vector<16xf32>
    %eq3A_105 = arith.cmpf oeq, %scan3A_81#2, %scan3A_81#1 : vector<16xf32>
    %lt3A_106 = arith.cmpi slt, %add3A_104, %add3A_93 : vector<16xi32>
    %and3A_107 = arith.andi %eq3A_105, %lt3A_106 : vector<16xi1>
    %or3A = arith.ori %gt3A, %and3A_107 : vector<16xi1>
    %select_n3A_108 = arith.select %or3A, %scan3A_81#2, %scan3A_81#1 : vector<16xi1>, vector<16xf32>
    %select_n3A_109 = arith.select %or3A, %add3A_104, %add3A_93 : vector<16xi1>, vector<16xi32>
    %add3A_110 = arith.constant 2 : i32
    %add3A_111 = arith.addi %mul3A_18, %add3A_110 : i32
    %mul3A_112 = arith.constant 32768 : i32
    %mul3A_113 = arith.muli %add3A_111, %mul3A_112 : i32
    %add3A_114 = arith.addi %mul3A_113, %mul3A_34 : i32
    %mul3A_115 = arith.constant 16 : i32
    %mul3A_116 = vector.broadcast %mul3A_115 : i32 to vector<16xi32>
    %mul3A_117 = arith.muli %scan3A_81#11, %mul3A_116 : vector<16xi32>
    %add3A_118 = vector.broadcast %add3A_114 : i32 to vector<16xi32>
    %add3A_119 = arith.addi %add3A_118, %mul3A_117 : vector<16xi32>
    %add3A_120 = arith.addi %add3A_119, %iota3A : vector<16xi32>
    %gt3A_121 = arith.cmpf ogt, %scan3A_81#3, %select_n3A_108 : vector<16xf32>
    %eq3A_122 = arith.cmpf oeq, %scan3A_81#3, %select_n3A_108 : vector<16xf32>
    %lt3A_123 = arith.cmpi slt, %add3A_120, %select_n3A_109 : vector<16xi32>
    %and3A_124 = arith.andi %eq3A_122, %lt3A_123 : vector<16xi1>
    %or3A_125 = arith.ori %gt3A_121, %and3A_124 : vector<16xi1>
    %select_n3A_126 = arith.select %or3A_125, %scan3A_81#3, %select_n3A_108 : vector<16xi1>, vector<16xf32>
    %select_n3A_127 = arith.select %or3A_125, %add3A_120, %select_n3A_109 : vector<16xi1>, vector<16xi32>
    %add3A_128 = arith.constant 3 : i32
    %add3A_129 = arith.addi %mul3A_18, %add3A_128 : i32
    %mul3A_130 = arith.constant 32768 : i32
    %mul3A_131 = arith.muli %add3A_129, %mul3A_130 : i32
    %add3A_132 = arith.addi %mul3A_131, %mul3A_34 : i32
    %mul3A_133 = arith.constant 16 : i32
    %mul3A_134 = vector.broadcast %mul3A_133 : i32 to vector<16xi32>
    %mul3A_135 = arith.muli %scan3A_81#12, %mul3A_134 : vector<16xi32>
    %add3A_136 = vector.broadcast %add3A_132 : i32 to vector<16xi32>
    %add3A_137 = arith.addi %add3A_136, %mul3A_135 : vector<16xi32>
    %add3A_138 = arith.addi %add3A_137, %iota3A : vector<16xi32>
    %gt3A_139 = arith.cmpf ogt, %scan3A_81#4, %select_n3A_126 : vector<16xf32>
    %eq3A_140 = arith.cmpf oeq, %scan3A_81#4, %select_n3A_126 : vector<16xf32>
    %lt3A_141 = arith.cmpi slt, %add3A_138, %select_n3A_127 : vector<16xi32>
    %and3A_142 = arith.andi %eq3A_140, %lt3A_141 : vector<16xi1>
    %or3A_143 = arith.ori %gt3A_139, %and3A_142 : vector<16xi1>
    %select_n3A_144 = arith.select %or3A_143, %scan3A_81#4, %select_n3A_126 : vector<16xi1>, vector<16xf32>
    %select_n3A_145 = arith.select %or3A_143, %add3A_138, %select_n3A_127 : vector<16xi1>, vector<16xi32>
    %add3A_146 = arith.constant 4 : i32
    %add3A_147 = arith.addi %mul3A_18, %add3A_146 : i32
    %mul3A_148 = arith.constant 32768 : i32
    %mul3A_149 = arith.muli %add3A_147, %mul3A_148 : i32
    %add3A_150 = arith.addi %mul3A_149, %mul3A_34 : i32
    %mul3A_151 = arith.constant 16 : i32
    %mul3A_152 = vector.broadcast %mul3A_151 : i32 to vector<16xi32>
    %mul3A_153 = arith.muli %scan3A_81#13, %mul3A_152 : vector<16xi32>
    %add3A_154 = vector.broadcast %add3A_150 : i32 to vector<16xi32>
    %add3A_155 = arith.addi %add3A_154, %mul3A_153 : vector<16xi32>
    %add3A_156 = arith.addi %add3A_155, %iota3A : vector<16xi32>
    %gt3A_157 = arith.cmpf ogt, %scan3A_81#5, %select_n3A_144 : vector<16xf32>
    %eq3A_158 = arith.cmpf oeq, %scan3A_81#5, %select_n3A_144 : vector<16xf32>
    %lt3A_159 = arith.cmpi slt, %add3A_156, %select_n3A_145 : vector<16xi32>
    %and3A_160 = arith.andi %eq3A_158, %lt3A_159 : vector<16xi1>
    %or3A_161 = arith.ori %gt3A_157, %and3A_160 : vector<16xi1>
    %select_n3A_162 = arith.select %or3A_161, %scan3A_81#5, %select_n3A_144 : vector<16xi1>, vector<16xf32>
    %select_n3A_163 = arith.select %or3A_161, %add3A_156, %select_n3A_145 : vector<16xi1>, vector<16xi32>
    %add3A_164 = arith.constant 5 : i32
    %add3A_165 = arith.addi %mul3A_18, %add3A_164 : i32
    %mul3A_166 = arith.constant 32768 : i32
    %mul3A_167 = arith.muli %add3A_165, %mul3A_166 : i32
    %add3A_168 = arith.addi %mul3A_167, %mul3A_34 : i32
    %mul3A_169 = arith.constant 16 : i32
    %mul3A_170 = vector.broadcast %mul3A_169 : i32 to vector<16xi32>
    %mul3A_171 = arith.muli %scan3A_81#14, %mul3A_170 : vector<16xi32>
    %add3A_172 = vector.broadcast %add3A_168 : i32 to vector<16xi32>
    %add3A_173 = arith.addi %add3A_172, %mul3A_171 : vector<16xi32>
    %add3A_174 = arith.addi %add3A_173, %iota3A : vector<16xi32>
    %gt3A_175 = arith.cmpf ogt, %scan3A_81#6, %select_n3A_162 : vector<16xf32>
    %eq3A_176 = arith.cmpf oeq, %scan3A_81#6, %select_n3A_162 : vector<16xf32>
    %lt3A_177 = arith.cmpi slt, %add3A_174, %select_n3A_163 : vector<16xi32>
    %and3A_178 = arith.andi %eq3A_176, %lt3A_177 : vector<16xi1>
    %or3A_179 = arith.ori %gt3A_175, %and3A_178 : vector<16xi1>
    %select_n3A_180 = arith.select %or3A_179, %scan3A_81#6, %select_n3A_162 : vector<16xi1>, vector<16xf32>
    %select_n3A_181 = arith.select %or3A_179, %add3A_174, %select_n3A_163 : vector<16xi1>, vector<16xi32>
    %add3A_182 = arith.constant 6 : i32
    %add3A_183 = arith.addi %mul3A_18, %add3A_182 : i32
    %mul3A_184 = arith.constant 32768 : i32
    %mul3A_185 = arith.muli %add3A_183, %mul3A_184 : i32
    %add3A_186 = arith.addi %mul3A_185, %mul3A_34 : i32
    %mul3A_187 = arith.constant 16 : i32
    %mul3A_188 = vector.broadcast %mul3A_187 : i32 to vector<16xi32>
    %mul3A_189 = arith.muli %scan3A_81#15, %mul3A_188 : vector<16xi32>
    %add3A_190 = vector.broadcast %add3A_186 : i32 to vector<16xi32>
    %add3A_191 = arith.addi %add3A_190, %mul3A_189 : vector<16xi32>
    %add3A_192 = arith.addi %add3A_191, %iota3A : vector<16xi32>
    %gt3A_193 = arith.cmpf ogt, %scan3A_81#7, %select_n3A_180 : vector<16xf32>
    %eq3A_194 = arith.cmpf oeq, %scan3A_81#7, %select_n3A_180 : vector<16xf32>
    %lt3A_195 = arith.cmpi slt, %add3A_192, %select_n3A_181 : vector<16xi32>
    %and3A_196 = arith.andi %eq3A_194, %lt3A_195 : vector<16xi1>
    %or3A_197 = arith.ori %gt3A_193, %and3A_196 : vector<16xi1>
    %select_n3A_198 = arith.select %or3A_197, %scan3A_81#7, %select_n3A_180 : vector<16xi1>, vector<16xf32>
    %select_n3A_199 = arith.select %or3A_197, %add3A_192, %select_n3A_181 : vector<16xi1>, vector<16xi32>
    %add3A_200 = arith.constant 7 : i32
    %add3A_201 = arith.addi %mul3A_18, %add3A_200 : i32
    %mul3A_202 = arith.constant 32768 : i32
    %mul3A_203 = arith.muli %add3A_201, %mul3A_202 : i32
    %add3A_204 = arith.addi %mul3A_203, %mul3A_34 : i32
    %mul3A_205 = arith.constant 16 : i32
    %mul3A_206 = vector.broadcast %mul3A_205 : i32 to vector<16xi32>
    %mul3A_207 = arith.muli %scan3A_81#16, %mul3A_206 : vector<16xi32>
    %add3A_208 = vector.broadcast %add3A_204 : i32 to vector<16xi32>
    %add3A_209 = arith.addi %add3A_208, %mul3A_207 : vector<16xi32>
    %add3A_210 = arith.addi %add3A_209, %iota3A : vector<16xi32>
    %gt3A_211 = arith.cmpf ogt, %scan3A_81#8, %select_n3A_198 : vector<16xf32>
    %eq3A_212 = arith.cmpf oeq, %scan3A_81#8, %select_n3A_198 : vector<16xf32>
    %lt3A_213 = arith.cmpi slt, %add3A_210, %select_n3A_199 : vector<16xi32>
    %and3A_214 = arith.andi %eq3A_212, %lt3A_213 : vector<16xi1>
    %or3A_215 = arith.ori %gt3A_211, %and3A_214 : vector<16xi1>
    %select_n3A_216 = arith.select %or3A_215, %scan3A_81#8, %select_n3A_198 : vector<16xi1>, vector<16xf32>
    %select_n3A_217 = arith.select %or3A_215, %add3A_210, %select_n3A_199 : vector<16xi1>, vector<16xi32>
    %swap3A = arith.constant 0 : index
    %swap3A_218 = tpu.vector_load %arg6[%swap3A] {strides = array<i32>} : memref<16xf32, #tpu.memory_space<vmem>>, vector<16xf32>,
    tpu.vector_store %arg6[%swap3A], %select_n3A_216 {strides = array<i32>} : memref<16xf32, #tpu.memory_space<vmem>>, vector<16xf32>,
    %swap3A_219 = arith.constant 0 : index
    %swap3A_220 = tpu.vector_load %arg7[%swap3A_219] {strides = array<i32>} : memref<16xi32, #tpu.memory_space<vmem>>, vector<16xi32>,
    tpu.vector_store %arg7[%swap3A_219], %select_n3A_217 {strides = array<i32>} : memref<16xi32, #tpu.memory_space<vmem>>, vector<16xi32>,
    %mul3A_221 = arith.constant 16 : i32
    %mul3A_222 = arith.muli %add3A, %mul3A_221 : i32
    "tpu.region"() ({
      %run_scoped3A = tpu.sem_alloc : memref<!tpu.dma_semaphore, #tpu.memory_space<semaphore_mem>>
      %dma_start3A_225 = tpu.memref_slice %arg3[%mul3A_222] : memref<512xf32, #tpu.memory_space<hbm>> -> memref<16xf32, #tpu.memory_space<hbm>>
      %dma_start3A_226 = tpu.memref_slice %arg3[%mul3A_222] : memref<512xf32, #tpu.memory_space<hbm>> -> memref<16xf32, #tpu.memory_space<hbm>>
      tpu.enqueue_dma source(%arg6 : memref<16xf32, #tpu.memory_space<vmem>>) target(%dma_start3A_226 : memref<16xf32, #tpu.memory_space<hbm>>) target_semaphore(%run_scoped3A : memref<!tpu.dma_semaphore, #tpu.memory_space<semaphore_mem>>)
      %dma_wait3A_227 = tpu.memref_slice %arg3[%mul3A_222] : memref<512xf32, #tpu.memory_space<hbm>> -> memref<16xf32, #tpu.memory_space<hbm>>
      %dma_wait3A_228 = tpu.memref_slice %arg3[%mul3A_222] : memref<512xf32, #tpu.memory_space<hbm>> -> memref<16xf32, #tpu.memory_space<hbm>>
      tpu.wait_dma2 semaphore(%run_scoped3A : memref<!tpu.dma_semaphore, #tpu.memory_space<semaphore_mem>>) src(%arg6 : memref<16xf32, #tpu.memory_space<vmem>>) dst(%dma_wait3A_228 : memref<16xf32, #tpu.memory_space<hbm>>)
      tpu.yield
    }) : () -> ()
    %mul3A_223 = arith.constant 16 : i32
    %mul3A_224 = arith.muli %add3A, %mul3A_223 : i32
    "tpu.region"() ({
      %run_scoped3A = tpu.sem_alloc : memref<!tpu.dma_semaphore, #tpu.memory_space<semaphore_mem>>
      %dma_start3A_225 = tpu.memref_slice %arg4[%mul3A_224] : memref<512xi32, #tpu.memory_space<hbm>> -> memref<16xi32, #tpu.memory_space<hbm>>
      %dma_start3A_226 = tpu.memref_slice %arg4[%mul3A_224] : memref<512xi32, #tpu.memory_space<hbm>> -> memref<16xi32, #tpu.memory_space<hbm>>
      tpu.enqueue_dma source(%arg7 : memref<16xi32, #tpu.memory_space<vmem>>) target(%dma_start3A_226 : memref<16xi32, #tpu.memory_space<hbm>>) target_semaphore(%run_scoped3A : memref<!tpu.dma_semaphore, #tpu.memory_space<semaphore_mem>>)
      %dma_wait3A_227 = tpu.memref_slice %arg4[%mul3A_224] : memref<512xi32, #tpu.memory_space<hbm>> -> memref<16xi32, #tpu.memory_space<hbm>>
      %dma_wait3A_228 = tpu.memref_slice %arg4[%mul3A_224] : memref<512xi32, #tpu.memory_space<hbm>> -> memref<16xi32, #tpu.memory_space<hbm>>
      tpu.wait_dma2 semaphore(%run_scoped3A : memref<!tpu.dma_semaphore, #tpu.memory_space<semaphore_mem>>) src(%arg7 : memref<16xi32, #tpu.memory_space<vmem>>) dst(%dma_wait3A_228 : memref<16xi32, #tpu.memory_space<hbm>>)
      tpu.yield
    }) : () -> ()
    return
  }
}

module attributes {stable_mosaic.version = 14 : i64} {
  func.func @_stage1_tc_body(%arg0: i32, %arg1: memref<128x4096xf32, #tpu.memory_space<vmem>>, %arg2: memref<1x1xf32, #tpu.memory_space<smem>>, %arg3: memref<1x1xi32, #tpu.memory_space<smem>>, %arg4: memref<1xf32, #tpu.memory_space<smem>>, %arg5: memref<1xi32, #tpu.memory_space<smem>>) attributes {dimension_semantics = [#tpu.dimension_semantics<arbitrary>], iteration_bounds = array<i64: 5>, scalar_prefetch = 0 : i64, scratch_operands = 2 : i64, tpu.core_type = #tpu.core_type<tc>, window_params = [{transform_indices = @transform_0, window_bounds = array<i64: 128, 4096>}, {transform_indices = @transform_1, window_bounds = array<i64: 1, 1>}, {transform_indices = @transform_2, window_bounds = array<i64: 1, 1>}]} {
    %get3A = arith.constant 0 : index
    %get3A_0 = arith.constant 0 : index
    %get3A_1 = vector.load %arg1[%get3A, %get3A_0] : memref<128x4096xf32, #tpu.memory_space<vmem>>, vector<128x4096xf32>
    %reduce_max3A = vector.shape_cast %get3A_1 : vector<128x4096xf32> to vector<1x128x4096xf32>
    %reduce_max3A_2 = arith.constant dense<0xFF800000> : vector<1xf32>
    %reduce_max3A_3 = vector.multi_reduction <maximumf>, %reduce_max3A, %reduce_max3A_2 [1, 2] : vector<1x128x4096xf32> to vector<1xf32>
    %reduce_max3A_4 = vector.shape_cast %reduce_max3A_3 : vector<1xf32> to vector<1x1x1xf32>
    %reduce_max3A_5 = vector.extract %reduce_max3A_4[0, 0, 0] : f32 from vector<1x1x1xf32>
    %eq3A = arith.constant 0 : i32
    %eq3A_6 = arith.cmpi eq, %arg0, %eq3A : i32
    %convert_element_type3A = arith.extui %eq3A_6 : i1 to i32
    %cond3A = arith.constant 0 : i32
    %cond3A_7 = arith.cmpi ne, %convert_element_type3A, %cond3A : i32
    scf.if %cond3A_7 {
      %swap3A = arith.constant 0 : index
      %swap3A_17 = memref.load %arg4[%swap3A] : memref<1xf32, #tpu.memory_space<smem>>
      memref.store %reduce_max3A_5, %arg4[%swap3A] : memref<1xf32, #tpu.memory_space<smem>>
      %iota3A = tpu.iota {dimensions = array<i32: 0>} : vector<128x4096xi32>
      %iota3A_18 = tpu.iota {dimensions = array<i32: 1>} : vector<128x4096xi32>
      %eq3A_19 = vector.broadcast %reduce_max3A_5 : f32 to vector<128x4096xf32>
      %eq3A_20 = arith.cmpf oeq, %get3A_1, %eq3A_19 : vector<128x4096xf32>
      %mul3A = arith.constant 32768 : i32
      %mul3A_21 = vector.broadcast %mul3A : i32 to vector<128x4096xi32>
      %mul3A_22 = arith.muli %iota3A, %mul3A_21 : vector<128x4096xi32>
      %add3A = arith.addi %mul3A_22, %iota3A_18 : vector<128x4096xi32>
      %jit3A = arith.constant 2147483647 : i32
      %broadcast_in_dim3A = vector.broadcast %jit3A : i32 to vector<128x4096xi32>
      %select_n3A = arith.select %eq3A_20, %add3A, %broadcast_in_dim3A : vector<128x4096xi1>, vector<128x4096xi32>
      %reduce_min3A = vector.shape_cast %select_n3A : vector<128x4096xi32> to vector<1x128x4096xi32>
      %reduce_min3A_23 = arith.constant dense<2147483647> : vector<1xi32>
      %reduce_min3A_24 = vector.multi_reduction <minsi>, %reduce_min3A, %reduce_min3A_23 [1, 2] : vector<1x128x4096xi32> to vector<1xi32>
      %reduce_min3A_25 = vector.shape_cast %reduce_min3A_24 : vector<1xi32> to vector<1x1x1xi32>
      %reduce_min3A_26 = vector.extract %reduce_min3A_25[0, 0, 0] : i32 from vector<1x1x1xi32>
      %add3A_27 = arith.constant 12288 : i32
      %add3A_28 = arith.addi %reduce_min3A_26, %add3A_27 : i32
      %swap3A_29 = arith.constant 0 : index
      %swap3A_30 = memref.load %arg5[%swap3A_29] : memref<1xi32, #tpu.memory_space<smem>>
      memref.store %add3A_28, %arg5[%swap3A_29] : memref<1xi32, #tpu.memory_space<smem>>
    } else {
    }
    %gt3A = arith.constant 0 : i32
    %gt3A_8 = arith.cmpi sgt, %arg0, %gt3A : i32
    %convert_element_type3A_9 = arith.extui %gt3A_8 : i1 to i32
    %cond3A_10 = arith.constant 0 : i32
    %cond3A_11 = arith.cmpi ne, %convert_element_type3A_9, %cond3A_10 : i32
    scf.if %cond3A_11 {
      %get3A_17 = arith.constant 0 : index
      %get3A_18 = memref.load %arg4[%get3A_17] : memref<1xf32, #tpu.memory_space<smem>>
      %ge3A = arith.cmpf oge, %reduce_max3A_5, %get3A_18 : f32
      %convert_element_type3A_19 = arith.extui %ge3A : i1 to i32
      %cond3A_20 = arith.constant 0 : i32
      %cond3A_21 = arith.cmpi ne, %convert_element_type3A_19, %cond3A_20 : i32
      scf.if %cond3A_21 {
        %iota3A = tpu.iota {dimensions = array<i32: 0>} : vector<128x4096xi32>
        %iota3A_22 = tpu.iota {dimensions = array<i32: 1>} : vector<128x4096xi32>
        %eq3A_23 = vector.broadcast %reduce_max3A_5 : f32 to vector<128x4096xf32>
        %eq3A_24 = arith.cmpf oeq, %get3A_1, %eq3A_23 : vector<128x4096xf32>
        %mul3A = arith.constant 32768 : i32
        %mul3A_25 = vector.broadcast %mul3A : i32 to vector<128x4096xi32>
        %mul3A_26 = arith.muli %iota3A, %mul3A_25 : vector<128x4096xi32>
        %add3A = arith.addi %mul3A_26, %iota3A_22 : vector<128x4096xi32>
        %jit3A = arith.constant 2147483647 : i32
        %broadcast_in_dim3A = vector.broadcast %jit3A : i32 to vector<128x4096xi32>
        %select_n3A = arith.select %eq3A_24, %add3A, %broadcast_in_dim3A : vector<128x4096xi1>, vector<128x4096xi32>
        %reduce_min3A = vector.shape_cast %select_n3A : vector<128x4096xi32> to vector<1x128x4096xi32>
        %reduce_min3A_27 = arith.constant dense<2147483647> : vector<1xi32>
        %reduce_min3A_28 = vector.multi_reduction <minsi>, %reduce_min3A, %reduce_min3A_27 [1, 2] : vector<1x128x4096xi32> to vector<1xi32>
        %reduce_min3A_29 = vector.shape_cast %reduce_min3A_28 : vector<1xi32> to vector<1x1x1xi32>
        %reduce_min3A_30 = vector.extract %reduce_min3A_29[0, 0, 0] : i32 from vector<1x1x1xi32>
        %mul3A_31 = arith.constant 4096 : i32
        %mul3A_32 = arith.muli %arg0, %mul3A_31 : i32
        %add3A_33 = arith.constant 12288 : i32
        %add3A_34 = arith.addi %add3A_33, %mul3A_32 : i32
        %add3A_35 = arith.addi %reduce_min3A_30, %add3A_34 : i32
        %get3A_36 = arith.constant 0 : index
        %get3A_37 = memref.load %arg4[%get3A_36] : memref<1xf32, #tpu.memory_space<smem>>
        %gt3A_38 = arith.cmpf ogt, %reduce_max3A_5, %get3A_37 : f32
        %get3A_39 = arith.constant 0 : index
        %get3A_40 = memref.load %arg5[%get3A_39] : memref<1xi32, #tpu.memory_space<smem>>
        %lt3A = arith.cmpi slt, %add3A_35, %get3A_40 : i32
        %or3A = arith.ori %gt3A_38, %lt3A : i1
        %convert_element_type3A_41 = arith.extui %or3A : i1 to i32
        %cond3A_42 = arith.constant 0 : i32
        %cond3A_43 = arith.cmpi ne, %convert_element_type3A_41, %cond3A_42 : i32
        scf.if %cond3A_43 {
          %swap3A = arith.constant 0 : index
          %swap3A_44 = memref.load %arg4[%swap3A] : memref<1xf32, #tpu.memory_space<smem>>
          memref.store %reduce_max3A_5, %arg4[%swap3A] : memref<1xf32, #tpu.memory_space<smem>>
          %swap3A_45 = arith.constant 0 : index
          %swap3A_46 = memref.load %arg5[%swap3A_45] : memref<1xi32, #tpu.memory_space<smem>>
          memref.store %add3A_35, %arg5[%swap3A_45] : memref<1xi32, #tpu.memory_space<smem>>
        } else {
        }
      } else {
      }
    } else {
    }
    %eq3A_12 = arith.constant 4 : i32
    %eq3A_13 = arith.cmpi eq, %arg0, %eq3A_12 : i32
    %convert_element_type3A_14 = arith.extui %eq3A_13 : i1 to i32
    %cond3A_15 = arith.constant 0 : i32
    %cond3A_16 = arith.cmpi ne, %convert_element_type3A_14, %cond3A_15 : i32
    scf.if %cond3A_16 {
      %get3A_17 = arith.constant 0 : index
      %get3A_18 = memref.load %arg4[%get3A_17] : memref<1xf32, #tpu.memory_space<smem>>
      %swap3A = arith.constant 0 : index
      %swap3A_19 = arith.constant 0 : index
      %swap3A_20 = memref.load %arg2[%swap3A, %swap3A_19] : memref<1x1xf32, #tpu.memory_space<smem>>
      memref.store %get3A_18, %arg2[%swap3A, %swap3A_19] : memref<1x1xf32, #tpu.memory_space<smem>>
      %get3A_21 = arith.constant 0 : index
      %get3A_22 = memref.load %arg5[%get3A_21] : memref<1xi32, #tpu.memory_space<smem>>
      %swap3A_23 = arith.constant 0 : index
      %swap3A_24 = arith.constant 0 : index
      %swap3A_25 = memref.load %arg3[%swap3A_23, %swap3A_24] : memref<1x1xi32, #tpu.memory_space<smem>>
      memref.store %get3A_22, %arg3[%swap3A_23, %swap3A_24] : memref<1x1xi32, #tpu.memory_space<smem>>
    } else {
    }
    return
  }
  func.func @transform_0(%arg0: i32) -> (i32, i32) {
    %add3A = arith.constant 3 : i32
    %add3A_0 = arith.addi %add3A, %arg0 : i32
    %c0_i32 = arith.constant 0 : i32
    %c0_i32_1 = arith.constant 0 : i32
    return %c0_i32, %add3A_0 : i32, i32
  }
  func.func @transform_1(%arg0: i32) -> (i32, i32) {
    %c0_i32 = arith.constant 0 : i32
    %c0_i32_0 = arith.constant 0 : i32
    %c0_i32_1 = arith.constant 0 : i32
    return %c0_i32, %c0_i32_0 : i32, i32
  }
  func.func @transform_2(%arg0: i32) -> (i32, i32) {
    %c0_i32 = arith.constant 0 : i32
    %c0_i32_0 = arith.constant 0 : i32
    %c0_i32_1 = arith.constant 0 : i32
    return %c0_i32, %c0_i32_0 : i32, i32
  }
}

module attributes {stable_mosaic.version = 14 : i64} {
  func.func @_merge_body(%arg0: memref<4x128xf32, #tpu.memory_space<vmem>>, %arg1: memref<4x128xi32, #tpu.memory_space<vmem>>, %arg2: memref<1x1xf32, #tpu.memory_space<smem>>, %arg3: memref<1x1xi32, #tpu.memory_space<smem>>, %arg4: memref<1x1xi32, #tpu.memory_space<smem>>) attributes {dimension_semantics = [], scalar_prefetch = 0 : i64, scratch_operands = 0 : i64, tpu.core_type = #tpu.core_type<tc>} {
    %get3A = arith.constant 0 : index
    %get3A_0 = arith.constant 0 : index
    %get3A_1 = vector.load %arg0[%get3A, %get3A_0] : memref<4x128xf32, #tpu.memory_space<vmem>>, vector<4x128xf32>
    %get3A_2 = arith.constant 0 : index
    %get3A_3 = arith.constant 0 : index
    %get3A_4 = vector.load %arg1[%get3A_2, %get3A_3] : memref<4x128xi32, #tpu.memory_space<vmem>>, vector<4x128xi32>
    %get3A_5 = arith.constant 0 : index
    %get3A_6 = arith.constant 0 : index
    %get3A_7 = memref.load %arg2[%get3A_5, %get3A_6] : memref<1x1xf32, #tpu.memory_space<smem>>
    %get3A_8 = arith.constant 0 : index
    %get3A_9 = arith.constant 0 : index
    %get3A_10 = memref.load %arg3[%get3A_8, %get3A_9] : memref<1x1xi32, #tpu.memory_space<smem>>
    %reduce_max3A = vector.shape_cast %get3A_1 : vector<4x128xf32> to vector<1x4x128xf32>
    %reduce_max3A_11 = arith.constant dense<0xFF800000> : vector<1xf32>
    %reduce_max3A_12 = vector.multi_reduction <maximumf>, %reduce_max3A, %reduce_max3A_11 [1, 2] : vector<1x4x128xf32> to vector<1xf32>
    %reduce_max3A_13 = vector.shape_cast %reduce_max3A_12 : vector<1xf32> to vector<1x1x1xf32>
    %reduce_max3A_14 = vector.extract %reduce_max3A_13[0, 0, 0] : f32 from vector<1x1x1xf32>
    %max3A = arith.maximumf %reduce_max3A_14, %get3A_7 : f32
    %eq3A = vector.broadcast %max3A : f32 to vector<4x128xf32>
    %eq3A_15 = arith.cmpf oeq, %get3A_1, %eq3A : vector<4x128xf32>
    %jit3A = arith.constant 2147483647 : i32
    %broadcast_in_dim3A = vector.broadcast %jit3A : i32 to vector<4x128xi32>
    %select_n3A = arith.select %eq3A_15, %get3A_4, %broadcast_in_dim3A : vector<4x128xi1>, vector<4x128xi32>
    %reduce_min3A = vector.shape_cast %select_n3A : vector<4x128xi32> to vector<1x4x128xi32>
    %reduce_min3A_16 = arith.constant dense<2147483647> : vector<1xi32>
    %reduce_min3A_17 = vector.multi_reduction <minsi>, %reduce_min3A, %reduce_min3A_16 [1, 2] : vector<1x4x128xi32> to vector<1xi32>
    %reduce_min3A_18 = vector.shape_cast %reduce_min3A_17 : vector<1xi32> to vector<1x1x1xi32>
    %reduce_min3A_19 = vector.extract %reduce_min3A_18[0, 0, 0] : i32 from vector<1x1x1xi32>
    %eq3A_20 = arith.cmpf oeq, %get3A_7, %max3A : f32
    %min3A = arith.minsi %reduce_min3A_19, %get3A_10 : i32
    %select_n3A_21 = arith.select %eq3A_20, %min3A, %reduce_min3A_19 : i32
    %swap3A = arith.constant 0 : index
    %swap3A_22 = arith.constant 0 : index
    %swap3A_23 = memref.load %arg4[%swap3A, %swap3A_22] : memref<1x1xi32, #tpu.memory_space<smem>>
    memref.store %select_n3A_21, %arg4[%swap3A, %swap3A_22] : memref<1x1xi32, #tpu.memory_space<smem>>
    return
  }
}

</mosaic_0001>

<sc_bundles>
// kernel: kernel.5.cloned.1.call-start
scs
__scs_entry_jumppad:
0x0: {  	(pc) =	sbr.rel $0x88, $3  }
0x1: {  	(tag) =	ssettag $0x0;
	lr =	simm.s32 $0x1  }
0x2: {  	[smem:$0x3FA0] =	sst lr;
	_ =	strace $0xD0000000  }
0x3: {  	_ = 	snop  }
0x4: {  	_ = 	snop  }
0x5: {  	_ = 	snop  }
0x6: {  	_ = 	snop  }
0x7: {  	_ = 	snop  }
__scs_overlays_trampoline_lowered:
0x8: {  	[smem:$0x3FAF] =	sst s0  }
0x9: {  	[smem:$0x3FB0] =	sst s1  }
0xa: {  	[smem:$0x3FB1] =	sst s2  }
0xb: {  	[smem:$0x3FB2] =	sst s3  }
0xc: {  	[smem:$0x3FB3] =	sst s4  }
0xd: {  	[smem:$0x3FB4] =	sst s5  }
0xe: {  	[smem:$0x3FB5] =	sst s6  }
0xf: {  	[smem:$0x3FB6] =	sst s7  }
0x10: {  	[smem:$0x3FB7] =	sst s8  }
0x11: {  	[smem:$0x3FB8] =	sst s9;
	s0 =	simm.s32 @!p0 $0x0  }
0x12: {  	s1 =	sld [smem:$0x3F9E];
	s0 =	simm.s32 @p0 $0x1  }
0x13: {  	[smem:$0x3FB9] =	sst s0;
	s0 =	simm.s32 @!p1 $0x0  }
0x14: {  	s2 =	sld [smem:$0x3F9D];
	s0 =	simm.s32 @p1 $0x1  }
0x15: {  	[smem:$0x3FBA] =	sst s0;
	s0 =	simm.s32 @!p2 $0x0  }
0x16: {  	s3 =	sld [smem:$0x3FDB];
	s0 =	simm.s32 @p2 $0x1  }
0x17: {  	s4 =	simm.s32 $0x1BF5;
	[smem:$0x3FBC] =	sst s0  }
0x18: {  	s0 =	sld [smem:$0x3F9F];
	_ =	swait.ge [sflag:s4], $0x0  }
0x19: {  	s7 =	sld [smem:$0x3FA0]  }
0x1a: {  	s8 =	sadd.s32 $0xFFFFE003, lr  }
0x1b: {  	s9 =	sadd.s32 $0xFFFFFEF7, lr;
	s5 =	simm.s32 $0xFFFFFFFF;
	p2 =	slt.u32 s8, $0xFFFFF086  }
0x1c: {  	p1 =	slt.u32 s9, $0xF7A;
	s5 =	simm.s32 @!p2 $0x0  }
0x1d: {  	s5 =	simm.s32 @p1 $0x1;
	p0 =	seq.s32 s7, s2  }
0x1e: {  	s7 =	smul.u32 @!p0 $0xF7A, s2;
	p2 =	seq.s32 @!p0 s5, $0x0  }
0x1f: {  	s9 =	smul.u32 $0xF7A, s1;
	s8 =	simm.s32 @!p0 $0x1BF5;
	p2 =	por !p2, p0  }
0x20: {  	[sflag:s8] =	ssyncset.s32 @!p0 $0xFFFFF086;
	s6 =	sadd.s32 @!p0 s3, s7;
	s7 =	simm.s32 @!p0 $0x108  }
0x21: {  	s3 =	sadd.s32 s3, s9;
	s6 =	sadd.s32 @!p0 $0x88, s6;
	s7 =	simm.s32 @p2 $0x1082  }
0x22: {  	[simem:s7], [sflag:s8] =	dma.local @!p0 [hbm:s6], $0xF7A  }
0x23: {  	s9 =	sor.u32 $0xD0000000, s2;
	s6 =	simm.s32 $0x108;
	_ =	swait.ge @!p0 [sflag:s8], $0x0  }
0x24: {  	s3 =	sadd.s32 $0x88, s3;
	s6 =	simm.s32 @!p1 $0x1082;
	[sflag:s4] =	ssyncset.s32 $0xFFFFF086  }
0x25: {  	[simem:s6], [sflag:s4] =	dma.local [hbm:s3], $0xF7A  }
0x26: {  	[smem:$0x3FA0] =	sst s1;
	(tag) =	ssettag s2;
	_ =	strace s9  }
0x27: {  	s1 =	sld [smem:$0x3FB0]  }
0x28: {  	s2 =	sld [smem:$0x3FB1]  }
0x29: {  	s4 =	sld [smem:$0x3FB3]  }
0x2a: {  	p0 =	seq.s32 s5, $0x0;
	s5 =	sld [smem:$0x3FB4]  }
0x2b: {  	s6 =	sld [smem:$0x3FB5]  }
0x2c: {  	s7 =	sld [smem:$0x3FB6]  }
0x2d: {  	s3 =	simm.s32 $0x108;
	s8 =	sld [smem:$0x3FB7]  }
0x2e: {  	s3 =	simm.s32 @!p0 $0x1082;
	s9 =	sld [smem:$0x3FB8]  }
0x2f: {  	lr =	sadd.s32 s0, s3;
	s0 =	sld [smem:$0x3FAF]  }
0x30: {  	s3 =	sld [smem:$0x3FB2]  }
0x31: {  	[smem:$0x3FBB] =	sst s10  }
0x32: {  	s10 =	sld [smem:$0x3FB9];
	_ =	sdelay $0x3  }
0x33: {  	p0 =	seq.s32 s10, $0x1;
	s10 =	sld [smem:$0x3FBB];
	_ =	sdelay $0x3  }
0x34: {  	[smem:$0x3FBB] =	sst s10  }
0x35: {  	s10 =	sld [smem:$0x3FBA];
	_ =	sdelay $0x3  }
0x36: {  	p1 =	seq.s32 s10, $0x1;
	s10 =	sld [smem:$0x3FBB];
	_ =	sdelay $0x3  }
0x37: {  	[smem:$0x3FBB] =	sst s10  }
0x38: {  	s10 =	sld [smem:$0x3FBC]  }
0x39: {  	_ = 	snop;
	(pc) =	sbr.ind lr, $3  }
0x3a: {  	_ = 	snop  }
0x3b: {  	_ = 	snop  }
0x3c: {  	p2 =	seq.s32 s10, $0x1;
	s10 =	sld [smem:$0x3FBB]  }
0x3d: {  	_ =	shalt  }
0x3e: {  	_ =	shalt  }
0x3f: {  	_ =	shalt  }
0x40: {  	_ =	shalt  }
0x41: {  	_ =	shalt  }
0x42: {  	_ =	shalt  }
0x43: {  	_ =	shalt  }
0x44: {  	_ =	shalt  }
0x45: {  	_ =	shalt  }
0x46: {  	_ =	shalt  }
0x47: {  	_ =	shalt  }
0x48: {  	_ =	shalt  }
0x49: {  	_ =	shalt  }
0x4a: {  	_ =	shalt  }
0x4b: {  	_ =	shalt  }
0x4c: {  	_ =	shalt  }
0x4d: {  	_ =	shalt  }
0x4e: {  	_ =	shalt  }
0x4f: {  	_ =	shalt  }
0x50: {  	_ =	shalt  }
0x51: {  	_ =	shalt  }
0x52: {  	_ =	shalt  }
0x53: {  	_ =	shalt  }
0x54: {  	_ =	shalt  }
0x55: {  	_ =	shalt  }
0x56: {  	_ =	shalt  }
0x57: {  	_ =	shalt  }
0x58: {  	_ =	shalt  }
0x59: {  	_ =	shalt  }
0x5a: {  	_ =	shalt  }
0x5b: {  	_ =	shalt  }
0x5c: {  	_ =	shalt  }
0x5d: {  	_ =	shalt  }
0x5e: {  	_ =	shalt  }
0x5f: {  	_ =	shalt  }
0x60: {  	_ =	shalt  }
0x61: {  	_ =	shalt  }
0x62: {  	_ =	shalt  }
0x63: {  	_ =	shalt  }
0x64: {  	_ =	shalt  }
0x65: {  	_ =	shalt  }
0x66: {  	_ =	shalt  }
0x67: {  	_ =	shalt  }
0x68: {  	_ =	shalt  }
0x69: {  	_ =	shalt  }
0x6a: {  	_ =	shalt  }
0x6b: {  	_ =	shalt  }
0x6c: {  	_ =	shalt  }
0x6d: {  	_ =	shalt  }
0x6e: {  	_ =	shalt  }
0x6f: {  	_ =	shalt  }
0x70: {  	_ =	shalt  }
0x71: {  	_ =	shalt  }
0x72: {  	_ =	shalt  }
0x73: {  	_ =	shalt  }
0x74: {  	_ =	shalt  }
0x75: {  	_ =	shalt  }
0x76: {  	_ =	shalt  }
0x77: {  	_ =	shalt  }
0x78: {  	_ =	shalt  }
0x79: {  	_ =	shalt  }
0x7a: {  	_ =	shalt  }
0x7b: {  	_ =	shalt  }
0x7c: {  	_ =	shalt  }
0x7d: {  	_ =	shalt  }
0x7e: {  	_ =	shalt  }
0x7f: {  	_ =	shalt  }
0x80: {  	_ =	shalt  }
0x81: {  	_ =	shalt  }
0x82: {  	_ =	shalt  }
0x83: {  	_ =	shalt  }
0x84: {  	_ =	shalt  }
0x85: {  	_ =	shalt  }
0x86: {  	_ =	shalt  }
0x87: {  	_ =	shalt  }
.Lfunc_end0:
.L_simem_size_0:
called_computation_lowered:
.L_overlay_start_0:
0x88: {  	s2 =	sld [smem:$0x3FD9]  }
0x89: {  	s3 =	sld [smem:$0x3FFE];
	_ =	sdelay $0x1  }
0x8a: {  	s1 =	srdreg.scid  }
0x8b: {  	s0 =	sand.u32 $0x1, s1  }
0x8c: {  	s17 =	sshll.u32 s0, $0xA;
	s2 =	sadd.s32 s3, s2  }
0x8d: {  	s2 =	sadd.s32 s2, s17  }
0x8e: {  	[smem:$0x3FC7] =	sst s2  }
0x8f: {  	_ = 	snop  }
0x90: {  	s2 =	sld [smem:$0x3FC9];
	(tm) =	ssettm $0x1  }
0x91: {  	s18 =	sld [smem:$0x3FFB];
	_ =	sdelay $0x3  }
0x92: {  	_ =	strace s18  }
0x93: {  	s3 =	sld [smem:$0x3FFC];
	_ =	sdelay $0x3  }
0x94: {  	_ =	strace s3  }
0x95: {  	s3 =	sld [smem:$0x3FFD];
	_ =	sdelay $0x3  }
0x96: {  	_ =	strace s3  }
0x97: {  	_ =	strace $0x8FFFFFFF  }
0x98: {  	s19 =	sld [smem:$0x3FDB];
	_ =	sdelay $0x1  }
0x99: {  	s4 =	simm.s32 $_scs_section_size  }
0x9a: {  	s5 =	simm.s32 $_size__tile_overlayer_lowered;
	s6 =	simm.s32 $_tile_overlayer_lowered  }
0x9b: {  	s22 =	simm.s32 $0x1BFF;
	s21 =	sshll.u32 s6, $0x1;
	s3 =	sadd.s32 s4, s19  }
0x9c: {  	s7 =	simm.s32 $0x0;
	s20 =	sshll.u32 s5, $0x1;
	s5 =	sadd.s32 s21, s3  }
0x9d: {  	[timem:s7], [sflag:s22] =	dma.local [hbm:s5], s20  }
0x9e: {  	_ =	swait.ge [sflag:s22], s20  }
0x9f: {  	s4 =	ssub.s32 $0x0, s20;
	[sflag:s22] =	ssyncset.done $0x0  }
0xa0: {  	[sflag:s22] =	ssyncadd.s32 s4;
	_ =	sdelay $0x1  }
0xa1: {  	s23 =	simm.s32 $0x1B8B  }
0xa2: {  	_ =	swait.ge [sflag:s23], $0x1  }
0xa3: {  	[sflag:s23] =	ssyncset.done $0x0  }
0xa4: {  	s25 =	simm.s32 $0x1B8E;
	s24 =	sld [smem:$0x3FFE];
	[sflag:s23] =	ssyncadd.s32 $0xFFFFFFFF  }
0xa5: {  	s26 =	simm.s32 $execute0_lowered;
	[smem:$0x3FD2] =	sst s25  }
0xa6: {  	s5 =	sshll.u32 s26, $0x1;
	_ =	strace $0x80000046;
	[dreg:$0x1] =	wrdreg $0xFFFFFFFF  }
0xa7: {  	s28 =	simm.s32 $_size_execute0_lowered;
	s3 =	sadd.s32 s3, s5;
	[dreg:$0x0] =	wrdreg $0x0  }
0xa8: {  	s5 =	sshll.u32 s28, $0x1;
	[dreg:$0x2] =	wrdreg s3  }
0xa9: {  	[dreg:$0x3] =	wrdreg s5  }
0xaa: {  	[dreg:$0x4] =	wrdreg $0xC0  }
0xab: {  	_ =	task [dreg:s7], $0x5FFFF  }
0xac: {  	[dreg:$0x1] =	wrdreg $0xFFFFFFFF  }
0xad: {  	[dreg:$0x0] =	wrdreg $0x60  }
0xae: {  	[dreg:$0x2] =	wrdreg s2  }
0xaf: {  	[dreg:$0x3] =	wrdreg s24  }
0xb0: {  	[dreg:$0x4] =	wrdreg $0x9  }
0xb1: {  	_ =	task.clear_ibuf [dreg:s7], $0x5FFFF;
	_ =	strace $0x90000046  }
0xb2: {  	s29 =	simm.s32 $0x9;
	_ =	strace $0x80000048  }
0xb3: {  	_ =	swait.ge [sflag:s29], $0x1  }
0xb4: {  	[sflag:s29] =	ssyncadd.s32 $0xFFFFFFFF  }
0xb5: {  	_ =	strace $0x90000048  }
0xb6: {  	_ =	sfence  }
0xb7: {  	s30 =	sld [smem:$0x0];
	_ =	sdelay $0x2  }
0xb8: {  	s31 =	sshll.u32 s1, $0xD;
	s1 =	sshrl.u32 s1, $0x2  }
0xb9: {  	s3 =	sand.u32 $0x4000, s31;
	s1 =	sadd.s32 s1, s30  }
0xba: {  	s0 =	sor.u32 s3, s0;
	s1 =	sshll.u32 s1, $0x11  }
0xbb: {  	s0 =	sor.u32 s1, s0  }
0xbc: {  	s0 =	sadd.s32 $0x8F2B, s0  }
0xbd: {  	[sflag:s0] =	ssyncadd.remote.s32 $0x1  }
0xbe: {  	_ =	sfence.sel $0xFFFF  }
0xbf: {  	[dreg:$0x0] =	wrdreg $0xFFFFFFFF;
	(pc) =	sbr.abs _section_cstart, $3  }
0xc0: {  	[dreg:$0x1] =	wrdreg $0xFFFFFFFF  }
0xc1: {  	_ =	task.clear_ibuf [dreg:s7], $0x2FFFF;
	_ =	strace $0x9FFFFFFF  }
0xc2: {  	(tm) =	ssettm $0x7FFFFFFF  }
0xc3: {  	_ =	shalt  }
tec
execute0_lowered:
.L_overlay_start_1:
0x0: {  	(tag) =	ssettag $0x1  }
0x1: {  	s5 =	rddreg [dreg:$0x0];
	s1 =	srdreg.scid  }
0x2: {  	s0 =	stileid.u32;
	s3 =	rddreg [dreg:$0x1]  }
0x3: {  	s7 =	simm.s32 $0x1;
	s4 =	sand.u32 $0x1, s1;
	s2 =	sshll.u32 s0, $0x1  }
0x4: {  	s8 =	simm.s32 $0x1800;
	s1 =	rddreg [dreg:$0x2];
	s6 =	sor.u32 s4, s2  }
0x5: {  	s2 =	simm.s32 $0x0;
	p1 =	seq.s32 s4, $0x1;
	p0 =	seq.s32 s6, $0x0  }
0x6: {  	s4 =	ssub.s32 $0x2, s4;
	[smem:$0x7FF] =	sst s2;
	p0 =	por !p0, !p1  }
0x7: {  	s6 =	sshll.u32 s6, $0x1;
	s8 =	simm.s32 @!p1 $0x0;
	p0 =	por !p0, !p0  }
0x8: {  	s9 =	sshrl.u32 s4, $0x1;
	_ =	strace $0x80000047;
	s7 =	simm.s32 @!p0 $0x0  }
0x9: {  	s10 =	sshll.u32 s8, $0x3;
	s11 =	sadd.s32 s6, s3;
	s7 =	ssub.s32 s0, s7  }
0xa: {  	s9 =	ssub.s32 s4, s9;
	s3 =	simm.s32 $0x1;
	s7 =	sshll.u32 s7, $0x12  }
0xb: {  	s28 =	sadd.s32 s5, s8;
	s6 =	sadd.s32 $0x1000, s11;
	s25 =	sor.u32 s7, s10  }
0xc: {  	s26 =	sshrl.u32 s7, $0x3;
	s7 =	sor.u32 s8, s7;
	s10 =	simm.s32 $0x2  }
0xd: {  	s4 =	sadd.s32 $0x6000, s25;
	s29 =	sor.u32 $0x8000, s7;
	s8 =	sor.u32 $0x10000, s7  }
0xe: {  	s30 =	sor.u32 $0x18000, s7;
	s31 =	sor.u32 $0x20000, s7;
	s13 =	sor.u32 $0x28000, s7  }
0xf: {  	s14 =	sor.u32 $0x30000, s7;
	s15 =	sor.u32 $0x38000, s7;
	v0 =	vmov s7;
	s7 =	sadd.s32 $0x1200, s11  }
0x10: {  	v8 =	vlaneseq.u32;
	s11 =	simm.s32 $0xC000;
	s12 =	sshrl.u32 s4, $0x3;
	s4 =	sadd.s32 s26, s28;
	v1 =	vmov s29  }
0x11: {  	v2 =	vmov s8;
	s8 =	smax.u32 s9, $0x1;
	v3 =	vmov s30;
	v5 =	vmov s13;
	s9 =	simm.s32 $0x6000;
	s13 =	simm.s32 $0xC080  }
0x12: {  	v4 =	vmov s31;
	v6 =	vmov s14;
	v7 =	vmov s15;
	s14 =	simm.s32 $0x0;
	s5 =	sadd.s32 s5, s12;
	s12 =	simm.s32 $0x3  }
.LBB2_1:
0x13: {  	[tilespmem:s2], [sflag:$0x1] =	stream.linear.gather [hbm4b:s4+s2], $0x6000, $0x38;
	[tilespmem:$0xC100] =	vst v63  }
0x14: {  	_ = 	snop  }
0x15: {  	[tilespmem:s9], [sflag:$0x2] =	stream.linear.gather [hbm4b:s5+s2], $0x6000, $0x38;
	[tilespmem:$0xC100] =	vst v63  }
0x16: {  	_ =	swait.ge [sflag:s3], $0x6000  }
0x17: {  	s15 =	sand.u32 $0x60, s2;
	s16 =	sand.u32 $0x7C00, s2;
	[sflag:s3] =	ssyncset.done $0x0  }
0x18: {  	s15 =	sor.u32 s15, s16;
	[sflag:s3] =	ssyncadd.s32 $0xFFFFA000  }
0x19: {  	v11 =	vld [tilespmem:s15+$0x0]  }
0x1a: {  	v13 =	vld [tilespmem:s15+$0x80]  }
0x1b: {  	v14 =	vld [tilespmem:s15+$0x10]  }
0x1c: {  	v15 =	vld [tilespmem:s15+$0x90]  }
0x1d: {  	v31 =	vld [tilespmem:s15+$0x100]  }
0x1e: {  	v20 =	vimm.f32 $-Inf;
	v33 =	vld [tilespmem:s15+$0x200]  }
0x1f: {  	v10 =	vimm.s32 $0x0;
	v29 =	vimm.f32 $-Inf;
	v26 =	vimm.f32 $-Inf;
	v32 =	vld [tilespmem:s15+$0x180]  }
0x20: {  	v24 =	vimm.f32 $-Inf;
	v25 =	vimm.f32 $-Inf;
	v23 =	vimm.f32 $-Inf;
	v9 =	vld [tilespmem:s15+$0x110]  }
0x21: {  	s29 =	sand.u32 $0x3, s2;
	v19 =	vimm.s32 $0x0;
	v27 =	vimm.s32 $0x0;
	v28 =	vimm.s32 $0x0;
	v21 =	vld [tilespmem:s15+$0x190]  }
0x22: {  	v18 =	vimm.s32 $0x0;
	v12 =	vor.u32 $0x1, v10;
	s16 =	sshll.u32 s29, $0x5;
	v22 =	vld [tilespmem:s15+$0x210];
	vm1 =	vgt.f32 v11, v20  }
0x23: {  	s16 =	sadd.s32 $0x0, s16;
	v30 =	vld [tilespmem:s15+$0x290];
	vm0 =	vgt.f32 v13, v20;
	vm3 =	vgt.f32 v33, v20;
	v11 =	vsel vm1, v11, v20  }
0x24: {  	s30 =	sor.u32 $0x300, s16;
	v34 =	vld [tilespmem:s15+$0x280];
	v13 =	vsel vm0, v13, v20;
	v16 =	vsel vm0, v10, v10;
	v17 =	vsel vm1, v10, v10  }
0x25: {  	s17 =	sor.u32 $0x380, s16;
	s16 =	sadd.s32 $0x10, s16;
	v35 =	vld [tilespmem:s30+$0x0];
	vm1 =	vgt.f32 v31, v20;
	vm0 =	vgt.f32 v14, v11;
	vm2 =	vgt.f32 v15, v13  }
0x26: {  	s18 =	simm.s32 $0x0;
	s31 =	sor.u32 $0x300, s16;
	s19 =	sor.u32 $0x380, s16;
	v37 =	vld [tilespmem:s17+$0x0];
	v14 =	vsel vm0, v14, v11;
	v15 =	vsel vm2, v15, v13;
	v16 =	vsel vm2, v12, v16  }
0x27: {  	s16 =	simm.s32 $0x100;
	s15 =	simm.s32 $0x0;
	v36 =	vld [tilespmem:s31+$0x0];
	s17 =	simm.s32 $0x20;
	vm2 =	vgt.f32 v32, v20;
	v13 =	vimm.s32 $0x0;
	v11 =	vimm.s32 $0x0  }
.LBB2_2:
0x28: {  	s20 =	sand.u32 $0x60, s17;
	s21 =	sand.u32 $0x7C00, s16;
	v20 =	vsel vm1, v31, v20;
	v29 =	vsel vm2, v32, v29;
	v26 =	vsel vm3, v33, v26;
	v31 =	vld [tilespmem:s19+$0x0]  }
0x29: {  	s19 =	sor.u32 s20, s21;
	vm4 =	vgt.f32 v9, v20;
	vm5 =	vgt.f32 v21, v29;
	vm6 =	vgt.f32 v22, v26  }
0x2a: {  	v38 =	vld [tilespmem:s19+$0x10];
	v20 =	vsel vm4, v9, v20;
	v29 =	vsel vm5, v21, v29;
	v26 =	vsel vm6, v22, v26  }
0x2b: {  	vm7 =	vgt.f32 v34, v24;
	vm8 =	vgt.f32 v35, v25;
	v39 =	vld [tilespmem:s19+$0x90];
	vm9 =	vgt.f32 v37, v23  }
0x2c: {  	v22 =	vsel vm7, v34, v24;
	v25 =	vsel vm8, v35, v25;
	v9 =	vld [tilespmem:s19+$0x110];
	v23 =	vsel vm9, v37, v23  }
0x2d: {  	vm10 =	vgt.f32 v30, v22;
	vm11 =	vgt.f32 v36, v25;
	v21 =	vld [tilespmem:s19+$0x190];
	vm12 =	vgt.f32 v31, v23  }
0x2e: {  	v24 =	vsel vm10, v30, v22;
	v25 =	vsel vm11, v36, v25;
	v34 =	vld [tilespmem:s19+$0x0];
	v23 =	vsel vm12, v31, v23  }
0x2f: {  	v13 =	vsel vm7, v10, v13;
	v19 =	vsel vm8, v10, v19;
	v11 =	vsel vm9, v10, v11;
	v35 =	vld [tilespmem:s19+$0x80]  }
0x30: {  	v13 =	vsel vm10, v12, v13;
	v19 =	vsel vm11, v12, v19;
	v11 =	vsel vm12, v12, v11;
	v22 =	vld [tilespmem:s19+$0x210]  }
0x31: {  	v27 =	vsel vm1, v10, v27;
	v28 =	vsel vm2, v10, v28;
	v18 =	vsel vm3, v10, v18;
	s18 =	sadd.s32 $0x1, s18;
	v31 =	vld [tilespmem:s19+$0x100]  }
0x32: {  	s15 =	sadd.s32 $0x2, s15;
	s20 =	sand.u32 $0x3, s18;
	v27 =	vsel vm4, v12, v27;
	v28 =	vsel vm5, v12, v28;
	v18 =	vsel vm6, v12, v18;
	v32 =	vld [tilespmem:s19+$0x180]  }
0x33: {  	v17 =	vsel vm0, v12, v17;
	p0 =	slt.u32 s15, $0xBE;
	s20 =	sshll.u32 s20, $0x5;
	v10 =	vadd.s32 $0x2, v10;
	v33 =	vld [tilespmem:s19+$0x200]  }
.Ltmp0:
0x34: {  	s20 =	sadd.s32 s20, s16;
	v12 =	vor.u32 $0x1, v10;
	vm0 =	vgt.f32 v34, v14;
	vm1 =	vgt.f32 v35, v15;
	v30 =	vld [tilespmem:s19+$0x290];
	(pc) =	sbr.rel @p0 .LBB2_2-.Ltmp0, $4  }
0x35: {  	v14 =	vsel vm0, v34, v14;
	v15 =	vsel vm1, v35, v15;
	v16 =	vsel vm1, v10, v16;
	v34 =	vld [tilespmem:s19+$0x280];
	s19 =	sor.u32 $0x300, s20  }
0x36: {  	v17 =	vsel vm0, v10, v17;
	vm0 =	vgt.f32 v38, v14;
	v35 =	vld [tilespmem:s19+$0x0];
	s19 =	sor.u32 $0x380, s20;
	vm1 =	vgt.f32 v39, v15;
	s20 =	sadd.s32 $0x10, s20  }
0x37: {  	v14 =	vsel vm0, v38, v14;
	v37 =	vld [tilespmem:s19+$0x0];
	v15 =	vsel vm1, v39, v15;
	v16 =	vsel vm1, v12, v16;
	s19 =	sor.u32 $0x300, s20  }
0x38: {  	s17 =	sadd.s32 $0x20, s17;
	s16 =	sadd.s32 $0x100, s16;
	vm1 =	vgt.f32 v31, v20;
	vm2 =	vgt.f32 v32, v29;
	vm3 =	vgt.f32 v33, v26;
	v36 =	vld [tilespmem:s19+$0x0];
	s19 =	sor.u32 $0x380, s20  }
0x39: {  	v38 =	vld [tilespmem:s19+$0x0];
	_ =	swait.ge [sflag:s10], $0x6000;
	s16 =	simm.s32 $0xC10;
	s15 =	simm.s32 $0x6080  }
0x3a: {  	v20 =	vsel vm1, v31, v20;
	v29 =	vsel vm2, v32, v29;
	[sflag:s10] =	ssyncset.done $0x0;
	s17 =	sand.u32 $0x70, s16;
	s15 =	sand.u32 $0xFC00, s15  }
0x3b: {  	v26 =	vsel vm3, v33, v26;
	v28 =	vsel vm2, v10, v28;
	v18 =	vsel vm3, v10, v18;
	[sflag:s10] =	ssyncadd.s32 $0xFFFFA000;
	s15 =	sor.u32 s17, s15  }
0x3c: {  	vm4 =	vgt.f32 v9, v20;
	vm5 =	vgt.f32 v21, v29;
	vm6 =	vgt.f32 v22, v26;
	v39 =	vld [tilespmem:s15+$0x0]  }
0x3d: {  	s18 =	simm.s32 $0x0;
	vm7 =	vgt.f32 v34, v24;
	v20 =	vsel vm4, v9, v20;
	v21 =	vsel vm5, v21, v29;
	s17 =	simm.s32 $0x0;
	v40 =	vld [tilespmem:s15+$0x80]  }
0x3e: {  	s18 =	sand.u32 $0x60, s18;
	v22 =	vsel vm6, v22, v26;
	vm8 =	vgt.f32 v35, v25;
	v9 =	vsel vm7, v34, v24;
	s30 =	sand.u32 $0x7C00, s17;
	v26 =	vld [tilespmem:s15+$0x100]  }
0x3f: {  	v18 =	vsel vm6, v12, v18;
	vm9 =	vgt.f32 v37, v23;
	v25 =	vsel vm8, v35, v25;
	v29 =	vld [tilespmem:s15+$0x180];
	s19 =	sor.u32 s18, s30  }
0x40: {  	vm10 =	vgt.f32 v30, v9;
	v19 =	vsel vm8, v10, v19;
	v23 =	vsel vm9, v37, v23;
	v62 =	vld [tilespmem:s19+$0x6000]  }
0x41: {  	vm11 =	vgt.f32 v36, v25;
	v24 =	vsel vm10, v30, v9;
	v9 =	vsel vm7, v10, v13;
	v63 =	vld [tilespmem:s19+$0x6080]  }
0x42: {  	v31 =	vsel vm9, v10, v11;
	v30 =	vld [tilespmem:s15+$0x200];
	vm12 =	vgt.f32 v38, v23;
	v25 =	vsel vm11, v36, v25  }
0x43: {  	v13 =	vsel vm10, v12, v9;
	v11 =	vsel vm11, v12, v19;
	v19 =	vsel vm1, v10, v27;
	v32 =	vld [tilespmem:s19+$0x6180]  }
0x44: {  	v10 =	vadd.s32 $0x2, v10;
	v35 =	vld [tilespmem:s19+$0x6200];
	v23 =	vsel vm12, v38, v23;
	v9 =	vsel vm12, v12, v31  }
0x45: {  	v31 =	vld [tilespmem:s19+$0x6100];
	v27 =	vsel vm4, v12, v19;
	v19 =	vsel vm5, v12, v28;
	v28 =	vsel vm0, v12, v17  }
0x46: {  	s31 =	sand.u32 $0x7, s17;
	v33 =	vld [tilespmem:s19+$0x6280];
	v12 =	vor.u32 $0x1, v10;
	vm0 =	vgt.f32 v62, v14;
	vm1 =	vgt.f32 v63, v15  }
0x47: {  	s18 =	sshll.u32 s31, $0x4;
	v34 =	vld [tilespmem:s19+$0x6300];
	v14 =	vsel vm0, v62, v14;
	v15 =	vsel vm1, v63, v15;
	v16 =	vsel vm1, v10, v16  }
0x48: {  	s20 =	sadd.s32 $0x0, s18;
	v36 =	vld [tilespmem:s19+$0x6380];
	v28 =	vsel vm0, v10, v28;
	vm0 =	vgt.f32 v39, v14;
	vm1 =	vgt.f32 v40, v15  }
0x49: {  	s18 =	simm.s32 $0x0;
	v17 =	vld [tilespmem:s15+$0x280];
	s20 =	sadd.s32 $0x6090, s20;
	s19 =	simm.s32 $0x100;
	v14 =	vsel vm0, v39, v14;
	v15 =	vsel vm1, v40, v15;
	v16 =	vsel vm1, v12, v16  }
.LBB2_4:
0x4a: {  	s21 =	sadd.s32 $0x6080, s19;
	vm1 =	vgt.f32 v31, v20;
	vm2 =	vgt.f32 v32, v21;
	vm3 =	vgt.f32 v35, v22;
	v37 =	vld [tilespmem:s15+$0x300];
	s15 =	sor.u32 $0x300, s20;
	s16 =	sadd.s32 $0x20, s16  }
0x4b: {  	s20 =	sand.u32 $0x70, s16;
	s21 =	sand.u32 $0xFC00, s21;
	v20 =	vsel vm1, v31, v20;
	v21 =	vsel vm2, v32, v21;
	v22 =	vsel vm3, v35, v22;
	v31 =	vld [tilespmem:s15+$0x0]  }
0x4c: {  	s15 =	sor.u32 s20, s21;
	vm4 =	vgt.f32 v26, v20;
	vm5 =	vgt.f32 v29, v21;
	vm6 =	vgt.f32 v30, v22  }
0x4d: {  	v38 =	vld [tilespmem:s15+$0x0];
	v20 =	vsel vm4, v26, v20;
	v21 =	vsel vm5, v29, v21;
	v22 =	vsel vm6, v30, v22  }
0x4e: {  	s20 =	sadd.s32 $0xFFFFF3F0, s16;
	vm7 =	vgt.f32 v33, v24;
	vm8 =	vgt.f32 v34, v25;
	v39 =	vld [tilespmem:s15+$0x80];
	vm9 =	vgt.f32 v36, v23  }
0x4f: {  	s21 =	sand.u32 $0x7C00, s19;
	s20 =	sand.u32 $0x60, s20;
	v24 =	vsel vm7, v33, v24;
	v25 =	vsel vm8, v34, v25;
	v26 =	vld [tilespmem:s15+$0x100];
	v23 =	vsel vm9, v36, v23  }
0x50: {  	s20 =	sor.u32 s20, s21;
	vm10 =	vgt.f32 v17, v24;
	vm11 =	vgt.f32 v37, v25;
	v29 =	vld [tilespmem:s15+$0x180];
	vm12 =	vgt.f32 v31, v23  }
0x51: {  	v24 =	vsel vm10, v17, v24;
	v25 =	vsel vm11, v37, v25;
	v33 =	vld [tilespmem:s20+$0x6000];
	v23 =	vsel vm12, v31, v23  }
0x52: {  	v13 =	vsel vm7, v10, v13;
	v11 =	vsel vm8, v10, v11;
	v9 =	vsel vm9, v10, v9;
	v34 =	vld [tilespmem:s20+$0x6080]  }
0x53: {  	v13 =	vsel vm10, v12, v13;
	v11 =	vsel vm11, v12, v11;
	v9 =	vsel vm12, v12, v9;
	v30 =	vld [tilespmem:s15+$0x200]  }
0x54: {  	s18 =	sadd.s32 $0x2, s18;
	v19 =	vsel vm2, v10, v19;
	v18 =	vsel vm3, v10, v18;
	v17 =	vsel vm1, v10, v27;
	v31 =	vld [tilespmem:s20+$0x6100]  }
0x55: {  	p0 =	slt.u32 s18, $0xBE;
	v19 =	vsel vm5, v12, v19;
	v18 =	vsel vm6, v12, v18;
	v27 =	vsel vm4, v12, v17;
	v32 =	vld [tilespmem:s20+$0x6180]  }
.Ltmp1:
0x56: {  	v28 =	vsel vm0, v12, v28;
	s17 =	sadd.s32 $0x2, s17;
	v10 =	vadd.s32 $0x2, v10;
	v35 =	vld [tilespmem:s20+$0x6200];
	(pc) =	sbr.rel @p0 .LBB2_4-.Ltmp1, $4  }
0x57: {  	s21 =	sand.u32 $0x7, s17;
	v12 =	vor.u32 $0x1, v10;
	vm0 =	vgt.f32 v33, v14;
	vm1 =	vgt.f32 v34, v15;
	v17 =	vld [tilespmem:s15+$0x280]  }
0x58: {  	s21 =	sshll.u32 s21, $0x4;
	v14 =	vsel vm0, v33, v14;
	v15 =	vsel vm1, v34, v15;
	v16 =	vsel vm1, v10, v16;
	v33 =	vld [tilespmem:s20+$0x6280]  }
0x59: {  	s21 =	sadd.s32 s19, s21;
	v28 =	vsel vm0, v10, v28;
	vm0 =	vgt.f32 v38, v14;
	v34 =	vld [tilespmem:s20+$0x6300];
	vm1 =	vgt.f32 v39, v15  }
0x5a: {  	s19 =	sadd.s32 $0x100, s19;
	v14 =	vsel vm0, v38, v14;
	v36 =	vld [tilespmem:s20+$0x6380];
	v15 =	vsel vm1, v39, v15;
	v16 =	vsel vm1, v12, v16;
	s20 =	sadd.s32 $0x6090, s21  }
0x5b: {  	vm8 =	vgt.f32 v31, v20;
	vm6 =	vgt.f32 v32, v21  }
0x5c: {  	vm4 =	vgt.f32 v35, v22;
	v54 =	vsel vm0, v12, v28;
	v16 =	vshll.u32 v16, $0x4  }
0x5d: {  	vm15 =	veq.f32 v15, v14;
	vm13 =	vgt.f32 v15, v14;
	v20 =	vsel vm8, v31, v20  }
0x5e: {  	v21 =	vsel vm6, v32, v21;
	v22 =	vsel vm4, v35, v22;
	v16 =	vadd.s32 v1, v16  }
0x5f: {  	v27 =	vsel vm8, v10, v27;
	v19 =	vsel vm6, v10, v19;
	v18 =	vsel vm4, v10, v18  }
0x60: {  	vm9 =	vgt.f32 v26, v20;
	vm7 =	vgt.f32 v29, v21;
	vm5 =	vgt.f32 v30, v22  }
0x61: {  	vm3 =	vgt.f32 v33, v24;
	v20 =	vsel vm9, v26, v20;
	v26 =	vshll.u32 v54, $0x4  }
0x62: {  	v21 =	vsel vm7, v29, v21;
	v22 =	vsel vm5, v30, v22;
	v26 =	vadd.s32 v0, v26  }
0x63: {  	vm2 =	vgt.f32 v34, v25;
	v24 =	vsel vm3, v33, v24;
	vm12 =	vlt.s32 v16, v26  }
0x64: {  	v27 =	vsel vm9, v12, v27;
	v19 =	vsel vm7, v12, v19;
	vm8 =	vmand vm15, vm12  }
0x65: {  	v18 =	vsel vm5, v12, v18;
	v27 =	vshll.u32 v27, $0x4;
	vm8 =	vmor vm13, vm8  }
0x66: {  	v58 =	vadd.s32 v2, v27;
	v56 =	vsel vm8, v15, v14;
	v57 =	vsel vm8, v16, v26  }
0x67: {  	v13 =	vsel vm3, v10, v13;
	vm14 =	veq.f32 v20, v56;
	vm8 =	vlt.s32 v58, v57  }
0x68: {  	vm1 =	vgt.f32 v36, v23;
	vm15 =	vgt.f32 v20, v56;
	vm8 =	vmand vm14, vm8  }
0x69: {  	v25 =	vsel vm2, v34, v25;
	v19 =	vshll.u32 v19, $0x4;
	vm7 =	vmor vm15, vm8  }
0x6a: {  	v55 =	vld [tilespmem:s15+$0x300];
	v60 =	vadd.s32 v3, v19;
	v14 =	vsel vm7, v20, v56;
	v15 =	vsel vm7, v58, v57  }
0x6b: {  	vm0 =	vgt.f32 v17, v24;
	vm11 =	veq.f32 v21, v14;
	vm7 =	vlt.s32 v60, v15  }
0x6c: {  	v18 =	vshll.u32 v18, $0x4;
	vm12 =	vgt.f32 v21, v14;
	vm7 =	vmand vm11, vm7  }
0x6d: {  	v11 =	vsel vm2, v10, v11;
	v23 =	vsel vm1, v36, v23;
	vm5 =	vmor vm12, vm7  }
0x6e: {  	v61 =	vadd.s32 v4, v18;
	v14 =	vsel vm5, v21, v14;
	v15 =	vsel vm5, v60, v15  }
0x6f: {  	vm10 =	vgt.f32 v55, v25;
	vm14 =	veq.f32 v22, v14;
	vm5 =	vlt.s32 v61, v15  }
0x70: {  	v13 =	vsel vm0, v12, v13;
	vm15 =	vgt.f32 v22, v14;
	vm3 =	vmand vm14, vm5  }
0x71: {  	s31 =	sor.u32 $0x300, s20;
	v17 =	vsel vm0, v17, v24;
	v13 =	vshll.u32 v13, $0x4;
	vm5 =	vmor vm15, vm3  }
0x72: {  	v59 =	vld [tilespmem:s31+$0x0];
	v13 =	vadd.s32 v5, v13;
	v14 =	vsel vm5, v22, v14;
	v15 =	vsel vm5, v61, v15  }
0x73: {  	v9 =	vsel vm1, v10, v9;
	vm7 =	veq.f32 v17, v14;
	vm8 =	vlt.s32 v13, v15  }
0x74: {  	v11 =	vsel vm10, v12, v11;
	vm9 =	vgt.f32 v17, v14;
	vm0 =	vmand vm7, vm8  }
0x75: {  	v62 =	vsel vm10, v55, v25;
	v11 =	vshll.u32 v11, $0x4;
	vm0 =	vmor vm9, vm0  }
0x76: {  	v11 =	vadd.s32 v6, v11;
	v14 =	vsel vm0, v17, v14;
	v13 =	vsel vm0, v13, v15  }
0x77: {  	vm13 =	vgt.f32 v59, v23;
	vm10 =	veq.f32 v62, v14;
	vm11 =	vlt.s32 v11, v13  }
0x78: {  	v9 =	vsel vm13, v12, v9;
	vm12 =	vgt.f32 v62, v14;
	vm0 =	vmand vm10, vm11  }
0x79: {  	v10 =	vsel vm13, v59, v23;
	v9 =	vshll.u32 v9, $0x4;
	vm0 =	vmor vm12, vm0  }
0x7a: {  	v9 =	vadd.s32 v7, v9;
	v63 =	vsel vm0, v62, v14;
	v11 =	vsel vm0, v11, v13  }
0x7b: {  	vm13 =	veq.f32 v10, v63;
	vm14 =	vlt.s32 v9, v11  }
0x7c: {  	vm15 =	vgt.f32 v10, v63;
	vm0 =	vmand vm13, vm14  }
0x7d: {  	vm0 =	vmor vm15, vm0  }
0x7e: {  	v10 =	vsel vm0, v10, v63;
	v9 =	vsel vm0, v9, v11  }
0x7f: {  	v9 =	vor.u32 v8, v9;
	[tilespmem:$0xC000] =	vst v10  }
0x80: {  	[tilespmem:$0xC080] =	vst v9  }
0x81: {  	[hbm4b:s6+s2] =	stream.linear.scatter [tilespmem:s11], [sflag:$0x3], $0x10, $0x38;
	[tilespmem:$0xC100] =	vst v63  }
0x82: {  	s14 =	sadd.s32 $0x1, s14;
	_ =	swait.ge [sflag:s12], $0x10  }
0x83: {  	p0 =	sne.s32 s14, s8;
	[sflag:s12] =	ssyncset.done $0x0  }
.Ltmp2:
0x84: {  	[sflag:s12] =	ssyncadd.s32 $0xFFFFFFF0;
	(pc) =	sbr.rel @p0 .LBB2_1-.Ltmp2, $4  }
0x85: {  	[hbm4b:s7+s2] =	stream.linear.scatter [tilespmem:s13], [sflag:$0x3], $0x10, $0x38;
	[tilespmem:$0xC100] =	vst v63  }
0x86: {  	_ =	swait.ge [sflag:s12], $0x10  }
0x87: {  	[sflag:s12] =	ssyncset.done $0x0  }
0x88: {  	[sflag:s12] =	ssyncadd.s32 $0xFFFFFFF0  }
0x89: {  	_ =	sfence.sel $0x180000  }
0x8a: {  	[bflag:$0x0] =	sbarrier.arrive $0xFFFF  }
0x8b: {  	p0 =	sne.s32 s0, $0x0;
	_ =	strace $0x90000047  }
0x8c: {  	s0 =	sadd.s32 @!p0 $0x100000, s1;
	[bflag:$0x2] =	sbarrier.arrive $0xFFFF  }
0x8d: {  	[sflag:s0] =	ssyncadd.tile.s32 @!p0 $0x1;
	_ =	shalt  }
.Lfunc_end2:
_tile_overlayer_lowered:
.L_overlay_start_2:
0x8e: {  	(tag) =	ssettag $0x2  }
0x8f: {  	s0 =	rddreg [dreg:$0x0];
	s2 =	stileid.u32  }
0x90: {  	s1 =	rddreg [dreg:$0x1];
	p0 =	sne.s32 s2, $0x0  }
0x91: {  	s3 =	rddreg [dreg:$0x2];
	[bflag:$0x3] =	sbarrier.arrive $0xFFFF;
	s2 =	simm.s32 @!p0 $0x1C03  }
0x92: {  	[timem:s3], [sflag:s2] =	dma.local @!p0 [hbm:s0], s1  }
0x93: {  	s0 =	simm.s32 @!p0 $0x3  }
0x94: {  	_ =	swait.ge @!p0 [sflag:s0], s1  }
0x95: {  	s1 =	ssub.s32 @!p0 $0x0, s1;
	[sflag:s0] =	ssyncset.done @!p0 $0x0  }
0x96: {  	[sflag:s0] =	ssyncadd.s32 @!p0 s1  }
0x97: {  	[bflag:$0x3] =	sbarrier.arrive $0xFFFF  }
0x98: {  	_ =	shalt  }

</sc_bundles>
